<compile_context>
chip_gen: v7x
topology: tpu7x:2x2x1
jax: 0.10.2.dev20260603
libtpu: 0.0.44.dev20260713+nightly
codegen_flags: <defaults>
</compile_context>

<pallas_src>
import functools

import jax
import jax.numpy as jnp
from jax import lax
from jax.experimental import pallas as pl
from jax.experimental.pallas import tpu as pltpu
from jax.experimental.pallas import tpu_sc as plsc

T, H, F, E, K = 2048, 1024, 512, 8, 2
P = T * K
EPAD = 128
TB = 256
NB = P // TB + E
NP = NB * TB

NC, NS, L = 2, 16, 16
NW = NC * NS

HW = H // 2
HQ = HW // NC
HR = HQ // 2
SLOTS_S = NP // NS
G_CH = 48
G_NCH = SLOTS_S // G_CH


def _router_body(x_ref, gt_ref, iw_ref, ww_ref):
    logits = jnp.dot(x_ref[...], gt_ref[...], preferred_element_type=jnp.float32)
    col = lax.broadcasted_iota(jnp.int32, (T, EPAD), 1)
    valid = col < E
    lg = jnp.where(valid, logits, -1e30)
    m = jnp.max(lg, axis=1, keepdims=True)
    z = jnp.exp(lg - m)
    prob = z / jnp.sum(z, axis=1, keepdims=True)
    prob = jnp.where(valid, prob, -1.0)
    m1 = jnp.max(prob, axis=1, keepdims=True)
    i1 = jnp.min(jnp.where(prob == m1, col, EPAD), axis=1, keepdims=True)
    p2 = jnp.where(col == i1, -1.0, prob)
    m2 = jnp.max(p2, axis=1, keepdims=True)
    i2 = jnp.min(jnp.where(p2 == m2, col, EPAD), axis=1, keepdims=True)
    denom = m1 + m2 + 1e-20
    w1 = m1 / denom
    w2 = m2 / denom
    iw_ref[...] = jnp.where(col == 0, i1, jnp.where(col == 1, i2, 0))
    ww_ref[...] = jnp.where(col == 0, w1, jnp.where(col == 1, w2, 0.0))


def _expert_body(bexp_ref, bval_ref, xs_ref, gw_ref, uw_ref, dw_ref, sw_ref, out_ref):
    b = pl.program_id(0)

    @pl.when(bval_ref[b] == 1)
    def _():
        xi = xs_ref[...]
        lo = lax.bitcast_convert_type(
            (xi & 0xFFFF).astype(jnp.uint16), jnp.bfloat16)
        hi = lax.bitcast_convert_type(
            lax.shift_right_logical(xi, 16).astype(jnp.uint16),
            jnp.bfloat16)
        gw = gw_ref[0].astype(jnp.bfloat16)
        uw = uw_ref[0].astype(jnp.bfloat16)
        g = (jnp.dot(lo, gw[:HW], preferred_element_type=jnp.float32)
             + jnp.dot(hi, gw[HW:], preferred_element_type=jnp.float32))
        u = (jnp.dot(lo, uw[:HW], preferred_element_type=jnp.float32)
             + jnp.dot(hi, uw[HW:], preferred_element_type=jnp.float32))
        a = (g / (1.0 + jnp.exp(-g))) * u
        o = jnp.dot(a.astype(jnp.bfloat16), dw_ref[0].astype(jnp.bfloat16),
                    preferred_element_type=jnp.float32)
        ob = (o * sw_ref[0, 0, :][:, None]).astype(jnp.bfloat16)
        lo_b = lax.bitcast_convert_type(ob[:, :HW], jnp.uint16)
        hi_b = lax.bitcast_convert_type(ob[:, HW:], jnp.uint16)
        out_ref[...] = lax.bitcast_convert_type(
            lo_b.astype(jnp.uint32) | (hi_b.astype(jnp.uint32) << 16),
            jnp.int32)


def _combine_body(yg_ref, out_ref):
    y = yg_ref[...]

    def unpk(w):
        lo = lax.bitcast_convert_type((w & 0xFFFF).astype(jnp.uint16),
                                      jnp.bfloat16)
        hi = lax.bitcast_convert_type(
            lax.shift_right_logical(w, 16).astype(jnp.uint16), jnp.bfloat16)
        return lo, hi

    la, ha = unpk(y[:, :HW])
    lb, hb = unpk(y[:, HW:])
    lo = la.astype(jnp.float32) + lb.astype(jnp.float32)
    hi = ha.astype(jnp.float32) + hb.astype(jnp.float32)
    out_ref[...] = jnp.concatenate([lo, hi], axis=1)


@functools.cache
def _make_sc_gather():
    mesh = plsc.VectorSubcoreMesh(core_axis_name="c", subcore_axis_name="s")

    @functools.partial(
        pl.kernel,
        mesh=mesh,
        out_type=jax.ShapeDtypeStruct((NP, HW), jnp.int32),
        scratch_types=[
            pltpu.VMEM((SLOTS_S,), jnp.int32),
            pltpu.VMEM((G_CH, HR), jnp.int32),
            pltpu.VMEM((G_CH, HR), jnp.int32),
            pltpu.VMEM_SHARED((T, HR), jnp.int32),
            pltpu.SemaphoreType.DMA,
            pltpu.SemaphoreType.DMA,
            pltpu.SemaphoreType.DMA,
            pltpu.SemaphoreType.DMA,
        ],
    )
    def _sc_gather(x_hbm, tok_hbm, xs_hbm, tok_v, rows0, rows1, xsh,
                   gs0, gs1, ws0, ws1):
        sid = lax.axis_index("s")
        cid = lax.axis_index("c")
        base = sid * SLOTS_S
        pltpu.sync_copy(tok_hbm.at[pl.ds(base, SLOTS_S)], tok_v)
        rows = (rows0, rows1)
        gsem = (gs0, gs1)
        wsem = (ws0, ws1)
        for r in range(2):
            coff = cid * HQ + r * HR
            if r > 0:
                plsc.subcore_barrier()

            @pl.when(sid == 0)
            def _(coff=coff):
                pltpu.sync_copy(x_hbm.at[:, pl.ds(coff, HR)], xsh)

            plsc.subcore_barrier()
            gc = [None] * G_NCH
            wc = [None] * G_NCH
            gc[0] = pltpu.async_copy(
                xsh.at[tok_v.at[pl.ds(0, G_CH)]], rows[0], gsem[0])
            for c in range(G_NCH):
                b = c % 2
                nb = (c + 1) % 2
                if c + 1 < G_NCH:
                    if c >= 1:
                        wc[c - 1].wait()
                    gc[c + 1] = pltpu.async_copy(
                        xsh.at[tok_v.at[pl.ds((c + 1) * G_CH, G_CH)]],
                        rows[nb], gsem[nb])
                gc[c].wait()
                wc[c] = pltpu.async_copy(
                    rows[b],
                    xs_hbm.at[pl.ds(base + c * G_CH, G_CH),
                              pl.ds(coff, HR)],
                    wsem[b])
            for c in range(max(G_NCH - 2, 0), G_NCH):
                wc[c].wait()

    return _sc_gather


@functools.cache
def _make_sc_permute():
    mesh = plsc.VectorSubcoreMesh(core_axis_name="c", subcore_axis_name="s")
    rows_w = P // NW
    r_ch = rows_w // 2

    @functools.partial(
        pl.kernel,
        mesh=mesh,
        out_type=jax.ShapeDtypeStruct((P, HW), jnp.int32),
        scratch_types=[
            pltpu.VMEM((rows_w,), jnp.int32),
            pltpu.VMEM((r_ch, HW), jnp.int32),
            pltpu.VMEM((r_ch, HW), jnp.int32),
            pltpu.SemaphoreType.DMA,
            pltpu.SemaphoreType.DMA,
            pltpu.SemaphoreType.DMA,
            pltpu.SemaphoreType.DMA,
        ],
    )
    def _sc_permute(ysw_hbm, pos_hbm, yg_hbm, pos_v, rows0, rows1,
                    gs0, gs1, ws0, ws1):
        wid = lax.axis_index("s") * NC + lax.axis_index("c")
        base = wid * rows_w
        pltpu.sync_copy(pos_hbm.at[pl.ds(base, rows_w)], pos_v)
        rows = (rows0, rows1)
        gsem = (gs0, gs1)
        wsem = (ws0, ws1)
        g0 = pltpu.async_copy(
            ysw_hbm.at[pos_v.at[pl.ds(0, r_ch)]], rows[0], gsem[0])
        g1 = pltpu.async_copy(
            ysw_hbm.at[pos_v.at[pl.ds(r_ch, r_ch)]], rows[1], gsem[1])
        g0.wait()
        w0 = pltpu.async_copy(
            rows[0], yg_hbm.at[pl.ds(base, r_ch)], wsem[0])
        g1.wait()
        w1 = pltpu.async_copy(
            rows[1], yg_hbm.at[pl.ds(base + r_ch, r_ch)], wsem[1])
        w0.wait()
        w1.wait()

    return _sc_permute


def kernel(x, gate_tensor, gate_w, up_w, down_w):
    gt_pad = jnp.pad(gate_tensor, ((0, 0), (0, EPAD - E)))
    iw, ww = pl.pallas_call(
        _router_body,
        out_shape=(
            jax.ShapeDtypeStruct((T, EPAD), jnp.int32),
            jax.ShapeDtypeStruct((T, EPAD), jnp.float32),
        ),
    )(x, gt_pad)
    topk_idx = iw[:, :K]
    flat_w = ww[:, :K].reshape(-1)

    flat_e = topk_idx.reshape(-1)
    onehot = (flat_e[:, None] == jnp.arange(E, dtype=jnp.int32)[None, :]).astype(jnp.int32)
    csum = jnp.cumsum(onehot, axis=0)
    rank = jnp.take_along_axis(csum, flat_e[:, None], axis=1)[:, 0] - 1
    counts = csum[-1]
    nblk = (counts + TB - 1) // TB
    blk_start = jnp.concatenate([jnp.zeros(1, jnp.int32), jnp.cumsum(nblk)[:-1].astype(jnp.int32)])
    tot_blocks = jnp.sum(nblk)
    slot = blk_start[flat_e] * TB + rank
    tok_of_slot = jnp.zeros(NP, jnp.int32).at[slot].set(
        jnp.arange(P, dtype=jnp.int32) // K)
    sortw = jnp.zeros(NP, jnp.float32).at[slot].set(flat_w)
    barange = jnp.arange(NB, dtype=jnp.int32)
    bexp = jnp.sum((barange[:, None] >= blk_start[None, :]).astype(jnp.int32), axis=1) - 1
    bval = (barange < tot_blocks).astype(jnp.int32)

    xu = lax.bitcast_convert_type(x.astype(jnp.bfloat16), jnp.uint16)
    xu = xu.astype(jnp.uint32)
    x_pk = lax.bitcast_convert_type(
        xu[:, :HW] | (xu[:, HW:] << 16), jnp.int32)
    xs_pk = _make_sc_gather()(x_pk, tok_of_slot)

    grid_spec = pltpu.PrefetchScalarGridSpec(
        num_scalar_prefetch=2,
        grid=(NB,),
        in_specs=[
            pl.BlockSpec((TB, HW), lambda b, be, bv: (b, 0)),
            pl.BlockSpec((1, H, F), lambda b, be, bv: (be[b], 0, 0)),
            pl.BlockSpec((1, H, F), lambda b, be, bv: (be[b], 0, 0)),
            pl.BlockSpec((1, F, H), lambda b, be, bv: (be[b], 0, 0)),
            pl.BlockSpec((1, 1, TB), lambda b, be, bv: (b, 0, 0)),
        ],
        out_specs=pl.BlockSpec((TB, HW), lambda b, be, bv: (b, 0)),
    )
    ysw = pl.pallas_call(
        _expert_body,
        grid_spec=grid_spec,
        out_shape=jax.ShapeDtypeStruct((NP, HW), jnp.int32),
    )(bexp, bval, xs_pk, gate_w, up_w, down_w, sortw.reshape(NB, 1, TB))

    yg = _make_sc_permute()(ysw, slot)
    CB = 256
    return pl.pallas_call(
        _combine_body,
        grid=(T // CB,),
        in_specs=[pl.BlockSpec((CB, K * HW), lambda b: (b, 0))],
        out_specs=pl.BlockSpec((CB, H), lambda b: (b, 0)),
        out_shape=jax.ShapeDtypeStruct((T, H), jnp.float32),
    )(yg.reshape(T, K * HW))

# --- scband reference (transcript-rebuilt; emitter-appended) ---
"""Pipeline reference for scband-block-sparse-mlp-52432960750071 (READ-ONLY COPY).

The authoritative reference and input builder live on the scoring server;
editing this copy changes nothing except your own understanding.
"""

import jax, jax.numpy as jnp
import numpy as np

T, H, F, E, K = 2048, 1024, 512, 8, 2

def setup_inputs(seed: int = 0) -> dict:
    key = jax.random.key(seed)
    ks = jax.random.split(key, 5)
    x = jax.random.normal(ks[0], (T, H), dtype=jnp.float32)
    gate_tensor = jax.random.normal(ks[1], (H, E), dtype=jnp.float32) * 0.02
    gate_w = jax.random.normal(ks[2], (E, H, F), dtype=jnp.float32) * 0.02
    up_w = jax.random.normal(ks[3], (E, H, F), dtype=jnp.float32) * 0.02
    down_w = jax.random.normal(ks[4], (E, F, H), dtype=jnp.float32) * 0.02
    return {"x": x, "gate_tensor": gate_tensor, "gate_w": gate_w, "up_w": up_w, "down_w": down_w}

def reference(x, gate_tensor, gate_w, up_w, down_w):
    # routing_std: router logits -> softmax -> top-k -> renormalize (Mixtral-style)
    router_logits = jnp.matmul(x, gate_tensor)
    probs = jax.nn.softmax(router_logits, axis=-1)
    topk_w, topk_idx = jax.lax.top_k(probs, K)
    topk_w = topk_w / (jnp.sum(topk_w, axis=-1, keepdims=True) + 1e-20)
    # combine weights [T, E] via scatter-add of top-k routing weights
    tok = jnp.arange(x.shape[0])
    combine = jnp.zeros((x.shape[0], E), dtype=x.dtype).at[tok[:, None], topk_idx].add(topk_w)
    # block-sparse gated MLP experts, computed densely with combine masking
    g = jnp.einsum('th,ehf->tef', x, gate_w)
    u = jnp.einsum('th,ehf->tef', x, up_w)
    a = jax.nn.silu(g) * u
    o = jnp.einsum('tef,efh->teh', a, down_w)
    out = jnp.einsum('teh,te->th', o, combine)
    return out

if __name__ == "__main__":
    import jax
    _d = setup_inputs()
    print(jax.jit(kernel)(*tuple(_d.values())))

</pallas_src>

<mosaic_0001>
#map = affine_map<(d0, d1) -> (0, 0)>
#map1 = affine_map<(d0, d1) -> (0)>
module attributes {stable_mosaic.version = 14 : i64} {
  func.func @_sc_permute(%arg0: i32, %arg1: i32, %arg2: memref<6144x512xi32, #tpu.memory_space<hbm>>, %arg3: memref<4096xi32, #tpu.memory_space<hbm>>, %arg4: memref<4096x512xi32, #tpu.memory_space<hbm>>, %arg5: memref<128xi32, #tpu.memory_space<vmem>>, %arg6: memref<64x512xi32, #tpu.memory_space<vmem>>, %arg7: memref<64x512xi32, #tpu.memory_space<vmem>>, %arg8: memref<!tpu.dma_semaphore, #tpu.memory_space<semaphore_mem>>, %arg9: memref<!tpu.dma_semaphore, #tpu.memory_space<semaphore_mem>>, %arg10: memref<!tpu.dma_semaphore, #tpu.memory_space<semaphore_mem>>, %arg11: memref<!tpu.dma_semaphore, #tpu.memory_space<semaphore_mem>>) attributes {dimension_semantics = [#tpu.dimension_semantics<core_parallel>, #tpu.dimension_semantics<subcore_parallel>], iteration_bounds = array<i64: 2, 16>, scalar_prefetch = 0 : i64, scratch_operands = 7 : i64, tpu.core_type = #tpu.core_type<sc_vector_subcore>, window_params = [{transform_indices = #map}, {transform_indices = #map1}, {transform_indices = #map}]} {
    %mul3A = arith.constant 2 : i32
    %mul3A_0 = arith.muli %arg1, %mul3A : i32
    %add3A = arith.addi %mul3A_0, %arg0 : i32
    %mul3A_1 = arith.constant 128 : i32
    %mul3A_2 = arith.muli %add3A, %mul3A_1 : i32
    "tpu.region"() ({
      %run_scoped3A = tpu.sem_alloc : memref<!tpu.dma_semaphore, #tpu.memory_space<semaphore_mem>>
      %dma_start3A_39 = tpu.memref_slice %arg3[%mul3A_2] : memref<4096xi32, #tpu.memory_space<hbm>> -> memref<128xi32, #tpu.memory_space<hbm>>
      %dma_start3A_40 = tpu.memref_slice %arg3[%mul3A_2] : memref<4096xi32, #tpu.memory_space<hbm>> -> memref<128xi32, #tpu.memory_space<hbm>>
      tpu.enqueue_dma source(%dma_start3A_40 : memref<128xi32, #tpu.memory_space<hbm>>) target(%arg5 : memref<128xi32, #tpu.memory_space<vmem>>) target_semaphore(%run_scoped3A : memref<!tpu.dma_semaphore, #tpu.memory_space<semaphore_mem>>)
      %dma_wait3A_41 = tpu.memref_slice %arg3[%mul3A_2] : memref<4096xi32, #tpu.memory_space<hbm>> -> memref<128xi32, #tpu.memory_space<hbm>>
      %dma_wait3A_42 = tpu.memref_slice %arg3[%mul3A_2] : memref<4096xi32, #tpu.memory_space<hbm>> -> memref<128xi32, #tpu.memory_space<hbm>>
      tpu.wait_dma2 semaphore(%run_scoped3A : memref<!tpu.dma_semaphore, #tpu.memory_space<semaphore_mem>>) src(%dma_wait3A_42 : memref<128xi32, #tpu.memory_space<hbm>>) dst(%arg5 : memref<128xi32, #tpu.memory_space<vmem>>)
      tpu.yield
    }) : () -> ()
    %dma_start3A = arith.constant 0 : i32
    %dma_start3A_3 = tpu.memref_slice %arg5[%dma_start3A] : memref<128xi32, #tpu.memory_space<vmem>> -> memref<64xi32, #tpu.memory_space<vmem>>
    %dma_start3A_4 = arith.constant 0 : i32
    %dma_start3A_5 = arith.constant 0 : i32
    %dma_start3A_6 = tpu.memref_slice %arg2[%dma_start3A_4, %dma_start3A_5] : memref<6144x512xi32, #tpu.memory_space<hbm>> -> memref<6144x512xi32, #tpu.memory_space<hbm>>
    tpu.enqueue_indirect_dma source(%dma_start3A_6 : memref<6144x512xi32, #tpu.memory_space<hbm>>) target(%arg6 : memref<64x512xi32, #tpu.memory_space<vmem>>) offsets(%dma_start3A_3 : memref<64xi32, #tpu.memory_space<vmem>>) semaphore(%arg8 : memref<!tpu.dma_semaphore, #tpu.memory_space<semaphore_mem>>)
    %dma_start3A_7 = arith.constant 64 : i32
    %dma_start3A_8 = tpu.memref_slice %arg5[%dma_start3A_7] : memref<128xi32, #tpu.memory_space<vmem>> -> memref<64xi32, #tpu.memory_space<vmem>>
    %dma_start3A_9 = arith.constant 0 : i32
    %dma_start3A_10 = arith.constant 0 : i32
    %dma_start3A_11 = tpu.memref_slice %arg2[%dma_start3A_9, %dma_start3A_10] : memref<6144x512xi32, #tpu.memory_space<hbm>> -> memref<6144x512xi32, #tpu.memory_space<hbm>>
    tpu.enqueue_indirect_dma source(%dma_start3A_11 : memref<6144x512xi32, #tpu.memory_space<hbm>>) target(%arg7 : memref<64x512xi32, #tpu.memory_space<vmem>>) offsets(%dma_start3A_8 : memref<64xi32, #tpu.memory_space<vmem>>) semaphore(%arg9 : memref<!tpu.dma_semaphore, #tpu.memory_space<semaphore_mem>>)
    %dma_wait3A = arith.constant 0 : i32
    %dma_wait3A_12 = tpu.memref_slice %arg5[%dma_wait3A] : memref<128xi32, #tpu.memory_space<vmem>> -> memref<64xi32, #tpu.memory_space<vmem>>
    %dma_wait3A_13 = arith.constant 0 : i32
    %dma_wait3A_14 = arith.constant 0 : i32
    %dma_wait3A_15 = tpu.memref_slice %arg2[%dma_wait3A_13, %dma_wait3A_14] : memref<6144x512xi32, #tpu.memory_space<hbm>> -> memref<6144x512xi32, #tpu.memory_space<hbm>>
    tpu.wait_indirect_dma semaphore(%arg8 : memref<!tpu.dma_semaphore, #tpu.memory_space<semaphore_mem>>) src(%dma_wait3A_15 : memref<6144x512xi32, #tpu.memory_space<hbm>>) dst(%arg6 : memref<64x512xi32, #tpu.memory_space<vmem>>)
    %dma_start3A_16 = arith.constant 0 : i32
    %dma_start3A_17 = tpu.memref_slice %arg4[%mul3A_2, %dma_start3A_16] : memref<4096x512xi32, #tpu.memory_space<hbm>> -> memref<64x512xi32, #tpu.memory_space<hbm>>
    %dma_start3A_18 = arith.constant 0 : i32
    %dma_start3A_19 = tpu.memref_slice %arg4[%mul3A_2, %dma_start3A_18] : memref<4096x512xi32, #tpu.memory_space<hbm>> -> memref<64x512xi32, #tpu.memory_space<hbm>>
    tpu.enqueue_dma source(%arg6 : memref<64x512xi32, #tpu.memory_space<vmem>>) target(%dma_start3A_19 : memref<64x512xi32, #tpu.memory_space<hbm>>) target_semaphore(%arg10 : memref<!tpu.dma_semaphore, #tpu.memory_space<semaphore_mem>>)
    %dma_wait3A_20 = arith.constant 64 : i32
    %dma_wait3A_21 = tpu.memref_slice %arg5[%dma_wait3A_20] : memref<128xi32, #tpu.memory_space<vmem>> -> memref<64xi32, #tpu.memory_space<vmem>>
    %dma_wait3A_22 = arith.constant 0 : i32
    %dma_wait3A_23 = arith.constant 0 : i32
    %dma_wait3A_24 = tpu.memref_slice %arg2[%dma_wait3A_22, %dma_wait3A_23] : memref<6144x512xi32, #tpu.memory_space<hbm>> -> memref<6144x512xi32, #tpu.memory_space<hbm>>
    tpu.wait_indirect_dma semaphore(%arg9 : memref<!tpu.dma_semaphore, #tpu.memory_space<semaphore_mem>>) src(%dma_wait3A_24 : memref<6144x512xi32, #tpu.memory_space<hbm>>) dst(%arg7 : memref<64x512xi32, #tpu.memory_space<vmem>>)
    %add3A_25 = arith.constant 64 : i32
    %add3A_26 = arith.addi %mul3A_2, %add3A_25 : i32
    %dma_start3A_27 = arith.constant 0 : i32
    %dma_start3A_28 = tpu.memref_slice %arg4[%add3A_26, %dma_start3A_27] : memref<4096x512xi32, #tpu.memory_space<hbm>> -> memref<64x512xi32, #tpu.memory_space<hbm>>
    %dma_start3A_29 = arith.constant 0 : i32
    %dma_start3A_30 = tpu.memref_slice %arg4[%add3A_26, %dma_start3A_29] : memref<4096x512xi32, #tpu.memory_space<hbm>> -> memref<64x512xi32, #tpu.memory_space<hbm>>
    tpu.enqueue_dma source(%arg7 : memref<64x512xi32, #tpu.memory_space<vmem>>) target(%dma_start3A_30 : memref<64x512xi32, #tpu.memory_space<hbm>>) target_semaphore(%arg11 : memref<!tpu.dma_semaphore, #tpu.memory_space<semaphore_mem>>)
    %dma_wait3A_31 = arith.constant 0 : i32
    %dma_wait3A_32 = tpu.memref_slice %arg4[%mul3A_2, %dma_wait3A_31] : memref<4096x512xi32, #tpu.memory_space<hbm>> -> memref<64x512xi32, #tpu.memory_space<hbm>>
    %dma_wait3A_33 = arith.constant 0 : i32
    %dma_wait3A_34 = tpu.memref_slice %arg4[%mul3A_2, %dma_wait3A_33] : memref<4096x512xi32, #tpu.memory_space<hbm>> -> memref<64x512xi32, #tpu.memory_space<hbm>>
    tpu.wait_dma2 semaphore(%arg10 : memref<!tpu.dma_semaphore, #tpu.memory_space<semaphore_mem>>) src(%arg6 : memref<64x512xi32, #tpu.memory_space<vmem>>) dst(%dma_wait3A_34 : memref<64x512xi32, #tpu.memory_space<hbm>>)
    %dma_wait3A_35 = arith.constant 0 : i32
    %dma_wait3A_36 = tpu.memref_slice %arg4[%add3A_26, %dma_wait3A_35] : memref<4096x512xi32, #tpu.memory_space<hbm>> -> memref<64x512xi32, #tpu.memory_space<hbm>>
    %dma_wait3A_37 = arith.constant 0 : i32
    %dma_wait3A_38 = tpu.memref_slice %arg4[%add3A_26, %dma_wait3A_37] : memref<4096x512xi32, #tpu.memory_space<hbm>> -> memref<64x512xi32, #tpu.memory_space<hbm>>
    tpu.wait_dma2 semaphore(%arg11 : memref<!tpu.dma_semaphore, #tpu.memory_space<semaphore_mem>>) src(%arg7 : memref<64x512xi32, #tpu.memory_space<vmem>>) dst(%dma_wait3A_38 : memref<64x512xi32, #tpu.memory_space<hbm>>)
    return
  }
}

#map = affine_map<(d0, d1) -> (0, 0)>
#map1 = affine_map<(d0, d1) -> (0)>
module attributes {stable_mosaic.version = 14 : i64} {
  func.func @_sc_gather(%arg0: i32, %arg1: i32, %arg2: memref<2048x512xi32, #tpu.memory_space<hbm>>, %arg3: memref<6144xi32, #tpu.memory_space<hbm>>, %arg4: memref<6144x512xi32, #tpu.memory_space<hbm>>, %arg5: memref<384xi32, #tpu.memory_space<vmem>>, %arg6: memref<48x128xi32, #tpu.memory_space<vmem>>, %arg7: memref<48x128xi32, #tpu.memory_space<vmem>>, %arg8: memref<2048x128xi32, #tpu.memory_space<vmem_shared>>, %arg9: memref<!tpu.dma_semaphore, #tpu.memory_space<semaphore_mem>>, %arg10: memref<!tpu.dma_semaphore, #tpu.memory_space<semaphore_mem>>, %arg11: memref<!tpu.dma_semaphore, #tpu.memory_space<semaphore_mem>>, %arg12: memref<!tpu.dma_semaphore, #tpu.memory_space<semaphore_mem>>) attributes {dimension_semantics = [#tpu.dimension_semantics<core_parallel>, #tpu.dimension_semantics<subcore_parallel>], iteration_bounds = array<i64: 2, 16>, scalar_prefetch = 0 : i64, scratch_operands = 8 : i64, tpu.core_type = #tpu.core_type<sc_vector_subcore>, window_params = [{transform_indices = #map}, {transform_indices = #map1}, {transform_indices = #map}]} {
    %mul3A = arith.constant 384 : i32
    %mul3A_0 = arith.muli %arg1, %mul3A : i32
    "tpu.region"() ({
      %run_scoped3A = tpu.sem_alloc : memref<!tpu.dma_semaphore, #tpu.memory_space<semaphore_mem>>
      %dma_start3A_271 = tpu.memref_slice %arg3[%mul3A_0] : memref<6144xi32, #tpu.memory_space<hbm>> -> memref<384xi32, #tpu.memory_space<hbm>>
      %dma_start3A_272 = tpu.memref_slice %arg3[%mul3A_0] : memref<6144xi32, #tpu.memory_space<hbm>> -> memref<384xi32, #tpu.memory_space<hbm>>
      tpu.enqueue_dma source(%dma_start3A_272 : memref<384xi32, #tpu.memory_space<hbm>>) target(%arg5 : memref<384xi32, #tpu.memory_space<vmem>>) target_semaphore(%run_scoped3A : memref<!tpu.dma_semaphore, #tpu.memory_space<semaphore_mem>>)
      %dma_wait3A_273 = tpu.memref_slice %arg3[%mul3A_0] : memref<6144xi32, #tpu.memory_space<hbm>> -> memref<384xi32, #tpu.memory_space<hbm>>
      %dma_wait3A_274 = tpu.memref_slice %arg3[%mul3A_0] : memref<6144xi32, #tpu.memory_space<hbm>> -> memref<384xi32, #tpu.memory_space<hbm>>
      tpu.wait_dma2 semaphore(%run_scoped3A : memref<!tpu.dma_semaphore, #tpu.memory_space<semaphore_mem>>) src(%dma_wait3A_274 : memref<384xi32, #tpu.memory_space<hbm>>) dst(%arg5 : memref<384xi32, #tpu.memory_space<vmem>>)
      tpu.yield
    }) : () -> ()
    %mul3A_1 = arith.constant 256 : i32
    %mul3A_2 = arith.muli %arg0, %mul3A_1 : i32
    %add3A = arith.constant 0 : i32
    %add3A_3 = arith.addi %mul3A_2, %add3A : i32
    %eq3A = arith.constant 0 : i32
    %eq3A_4 = arith.cmpi eq, %arg1, %eq3A : i32
    %convert_element_type3A = arith.extui %eq3A_4 : i1 to i32
    %cond3A = arith.constant 0 : i32
    %cond3A_5 = arith.cmpi ne, %convert_element_type3A, %cond3A : i32
    scf.if %cond3A_5 {
      "tpu.region"() ({
        %run_scoped3A = tpu.sem_alloc : memref<!tpu.dma_semaphore, #tpu.memory_space<semaphore_mem>>
        %dma_start3A_271 = arith.constant 0 : i32
        %dma_start3A_272 = tpu.memref_slice %arg2[%dma_start3A_271, %add3A_3] : memref<2048x512xi32, #tpu.memory_space<hbm>> -> memref<2048x128xi32, #tpu.memory_space<hbm>>
        tpu.enqueue_dma source(%dma_start3A_272 : memref<2048x128xi32, #tpu.memory_space<hbm>>) target(%arg8 : memref<2048x128xi32, #tpu.memory_space<vmem_shared>>) target_semaphore(%run_scoped3A : memref<!tpu.dma_semaphore, #tpu.memory_space<semaphore_mem>>)
        %dma_wait3A_273 = arith.constant 0 : i32
        %dma_wait3A_274 = tpu.memref_slice %arg2[%dma_wait3A_273, %add3A_3] : memref<2048x512xi32, #tpu.memory_space<hbm>> -> memref<2048x128xi32, #tpu.memory_space<hbm>>
        tpu.wait_dma2 semaphore(%run_scoped3A : memref<!tpu.dma_semaphore, #tpu.memory_space<semaphore_mem>>) src(%dma_wait3A_274 : memref<2048x128xi32, #tpu.memory_space<hbm>>) dst(%arg8 : memref<2048x128xi32, #tpu.memory_space<vmem_shared>>)
        tpu.yield
      }) : () -> ()
    } else {
    }
    %barrier3A = arith.constant 0 : index
    tpu.barrier barrier_id(%barrier3A)
    %dma_start3A = arith.constant 0 : i32
    %dma_start3A_6 = tpu.memref_slice %arg5[%dma_start3A] : memref<384xi32, #tpu.memory_space<vmem>> -> memref<48xi32, #tpu.memory_space<vmem>>
    %dma_start3A_7 = arith.constant 0 : i32
    %dma_start3A_8 = arith.constant 0 : i32
    %dma_start3A_9 = tpu.memref_slice %arg8[%dma_start3A_7, %dma_start3A_8] : memref<2048x128xi32, #tpu.memory_space<vmem_shared>> -> memref<2048x128xi32, #tpu.memory_space<vmem_shared>>
    tpu.enqueue_indirect_dma source(%dma_start3A_9 : memref<2048x128xi32, #tpu.memory_space<vmem_shared>>) target(%arg6 : memref<48x128xi32, #tpu.memory_space<vmem>>) offsets(%dma_start3A_6 : memref<48xi32, #tpu.memory_space<vmem>>) semaphore(%arg9 : memref<!tpu.dma_semaphore, #tpu.memory_space<semaphore_mem>>)
    %dma_start3A_10 = arith.constant 48 : i32
    %dma_start3A_11 = tpu.memref_slice %arg5[%dma_start3A_10] : memref<384xi32, #tpu.memory_space<vmem>> -> memref<48xi32, #tpu.memory_space<vmem>>
    %dma_start3A_12 = arith.constant 0 : i32
    %dma_start3A_13 = arith.constant 0 : i32
    %dma_start3A_14 = tpu.memref_slice %arg8[%dma_start3A_12, %dma_start3A_13] : memref<2048x128xi32, #tpu.memory_space<vmem_shared>> -> memref<2048x128xi32, #tpu.memory_space<vmem_shared>>
    tpu.enqueue_indirect_dma source(%dma_start3A_14 : memref<2048x128xi32, #tpu.memory_space<vmem_shared>>) target(%arg7 : memref<48x128xi32, #tpu.memory_space<vmem>>) offsets(%dma_start3A_11 : memref<48xi32, #tpu.memory_space<vmem>>) semaphore(%arg10 : memref<!tpu.dma_semaphore, #tpu.memory_space<semaphore_mem>>)
    %dma_wait3A = arith.constant 0 : i32
    %dma_wait3A_15 = tpu.memref_slice %arg5[%dma_wait3A] : memref<384xi32, #tpu.memory_space<vmem>> -> memref<48xi32, #tpu.memory_space<vmem>>
    %dma_wait3A_16 = arith.constant 0 : i32
    %dma_wait3A_17 = arith.constant 0 : i32
    %dma_wait3A_18 = tpu.memref_slice %arg8[%dma_wait3A_16, %dma_wait3A_17] : memref<2048x128xi32, #tpu.memory_space<vmem_shared>> -> memref<2048x128xi32, #tpu.memory_space<vmem_shared>>
    tpu.wait_indirect_dma semaphore(%arg9 : memref<!tpu.dma_semaphore, #tpu.memory_space<semaphore_mem>>) src(%dma_wait3A_18 : memref<2048x128xi32, #tpu.memory_space<vmem_shared>>) dst(%arg6 : memref<48x128xi32, #tpu.memory_space<vmem>>)
    %add3A_19 = arith.constant 0 : i32
    %add3A_20 = arith.addi %mul3A_0, %add3A_19 : i32
    %dma_start3A_21 = tpu.memref_slice %arg4[%add3A_20, %add3A_3] : memref<6144x512xi32, #tpu.memory_space<hbm>> -> memref<48x128xi32, #tpu.memory_space<hbm>>
    %dma_start3A_22 = tpu.memref_slice %arg4[%add3A_20, %add3A_3] : memref<6144x512xi32, #tpu.memory_space<hbm>> -> memref<48x128xi32, #tpu.memory_space<hbm>>
    tpu.enqueue_dma source(%arg6 : memref<48x128xi32, #tpu.memory_space<vmem>>) target(%dma_start3A_22 : memref<48x128xi32, #tpu.memory_space<hbm>>) target_semaphore(%arg11 : memref<!tpu.dma_semaphore, #tpu.memory_space<semaphore_mem>>)
    %dma_wait3A_23 = tpu.memref_slice %arg4[%add3A_20, %add3A_3] : memref<6144x512xi32, #tpu.memory_space<hbm>> -> memref<48x128xi32, #tpu.memory_space<hbm>>
    %dma_wait3A_24 = tpu.memref_slice %arg4[%add3A_20, %add3A_3] : memref<6144x512xi32, #tpu.memory_space<hbm>> -> memref<48x128xi32, #tpu.memory_space<hbm>>
    tpu.wait_dma2 semaphore(%arg11 : memref<!tpu.dma_semaphore, #tpu.memory_space<semaphore_mem>>) src(%arg6 : memref<48x128xi32, #tpu.memory_space<vmem>>) dst(%dma_wait3A_24 : memref<48x128xi32, #tpu.memory_space<hbm>>)
    %dma_start3A_25 = arith.constant 96 : i32
    %dma_start3A_26 = tpu.memref_slice %arg5[%dma_start3A_25] : memref<384xi32, #tpu.memory_space<vmem>> -> memref<48xi32, #tpu.memory_space<vmem>>
    %dma_start3A_27 = arith.constant 0 : i32
    %dma_start3A_28 = arith.constant 0 : i32
    %dma_start3A_29 = tpu.memref_slice %arg8[%dma_start3A_27, %dma_start3A_28] : memref<2048x128xi32, #tpu.memory_space<vmem_shared>> -> memref<2048x128xi32, #tpu.memory_space<vmem_shared>>
    tpu.enqueue_indirect_dma source(%dma_start3A_29 : memref<2048x128xi32, #tpu.memory_space<vmem_shared>>) target(%arg6 : memref<48x128xi32, #tpu.memory_space<vmem>>) offsets(%dma_start3A_26 : memref<48xi32, #tpu.memory_space<vmem>>) semaphore(%arg9 : memref<!tpu.dma_semaphore, #tpu.memory_space<semaphore_mem>>)
    %dma_wait3A_30 = arith.constant 48 : i32
    %dma_wait3A_31 = tpu.memref_slice %arg5[%dma_wait3A_30] : memref<384xi32, #tpu.memory_space<vmem>> -> memref<48xi32, #tpu.memory_space<vmem>>
    %dma_wait3A_32 = arith.constant 0 : i32
    %dma_wait3A_33 = arith.constant 0 : i32
    %dma_wait3A_34 = tpu.memref_slice %arg8[%dma_wait3A_32, %dma_wait3A_33] : memref<2048x128xi32, #tpu.memory_space<vmem_shared>> -> memref<2048x128xi32, #tpu.memory_space<vmem_shared>>
    tpu.wait_indirect_dma semaphore(%arg10 : memref<!tpu.dma_semaphore, #tpu.memory_space<semaphore_mem>>) src(%dma_wait3A_34 : memref<2048x128xi32, #tpu.memory_space<vmem_shared>>) dst(%arg7 : memref<48x128xi32, #tpu.memory_space<vmem>>)
    %add3A_35 = arith.constant 48 : i32
    %add3A_36 = arith.addi %mul3A_0, %add3A_35 : i32
    %dma_start3A_37 = tpu.memref_slice %arg4[%add3A_36, %add3A_3] : memref<6144x512xi32, #tpu.memory_space<hbm>> -> memref<48x128xi32, #tpu.memory_space<hbm>>
    %dma_start3A_38 = tpu.memref_slice %arg4[%add3A_36, %add3A_3] : memref<6144x512xi32, #tpu.memory_space<hbm>> -> memref<48x128xi32, #tpu.memory_space<hbm>>
    tpu.enqueue_dma source(%arg7 : memref<48x128xi32, #tpu.memory_space<vmem>>) target(%dma_start3A_38 : memref<48x128xi32, #tpu.memory_space<hbm>>) target_semaphore(%arg12 : memref<!tpu.dma_semaphore, #tpu.memory_space<semaphore_mem>>)
    %dma_wait3A_39 = tpu.memref_slice %arg4[%add3A_36, %add3A_3] : memref<6144x512xi32, #tpu.memory_space<hbm>> -> memref<48x128xi32, #tpu.memory_space<hbm>>
    %dma_wait3A_40 = tpu.memref_slice %arg4[%add3A_36, %add3A_3] : memref<6144x512xi32, #tpu.memory_space<hbm>> -> memref<48x128xi32, #tpu.memory_space<hbm>>
    tpu.wait_dma2 semaphore(%arg12 : memref<!tpu.dma_semaphore, #tpu.memory_space<semaphore_mem>>) src(%arg7 : memref<48x128xi32, #tpu.memory_space<vmem>>) dst(%dma_wait3A_40 : memref<48x128xi32, #tpu.memory_space<hbm>>)
    %dma_start3A_41 = arith.constant 144 : i32
    %dma_start3A_42 = tpu.memref_slice %arg5[%dma_start3A_41] : memref<384xi32, #tpu.memory_space<vmem>> -> memref<48xi32, #tpu.memory_space<vmem>>
    %dma_start3A_43 = arith.constant 0 : i32
    %dma_start3A_44 = arith.constant 0 : i32
    %dma_start3A_45 = tpu.memref_slice %arg8[%dma_start3A_43, %dma_start3A_44] : memref<2048x128xi32, #tpu.memory_space<vmem_shared>> -> memref<2048x128xi32, #tpu.memory_space<vmem_shared>>
    tpu.enqueue_indirect_dma source(%dma_start3A_45 : memref<2048x128xi32, #tpu.memory_space<vmem_shared>>) target(%arg7 : memref<48x128xi32, #tpu.memory_space<vmem>>) offsets(%dma_start3A_42 : memref<48xi32, #tpu.memory_space<vmem>>) semaphore(%arg10 : memref<!tpu.dma_semaphore, #tpu.memory_space<semaphore_mem>>)
    %dma_wait3A_46 = arith.constant 96 : i32
    %dma_wait3A_47 = tpu.memref_slice %arg5[%dma_wait3A_46] : memref<384xi32, #tpu.memory_space<vmem>> -> memref<48xi32, #tpu.memory_space<vmem>>
    %dma_wait3A_48 = arith.constant 0 : i32
    %dma_wait3A_49 = arith.constant 0 : i32
    %dma_wait3A_50 = tpu.memref_slice %arg8[%dma_wait3A_48, %dma_wait3A_49] : memref<2048x128xi32, #tpu.memory_space<vmem_shared>> -> memref<2048x128xi32, #tpu.memory_space<vmem_shared>>
    tpu.wait_indirect_dma semaphore(%arg9 : memref<!tpu.dma_semaphore, #tpu.memory_space<semaphore_mem>>) src(%dma_wait3A_50 : memref<2048x128xi32, #tpu.memory_space<vmem_shared>>) dst(%arg6 : memref<48x128xi32, #tpu.memory_space<vmem>>)
    %add3A_51 = arith.constant 96 : i32
    %add3A_52 = arith.addi %mul3A_0, %add3A_51 : i32
    %dma_start3A_53 = tpu.memref_slice %arg4[%add3A_52, %add3A_3] : memref<6144x512xi32, #tpu.memory_space<hbm>> -> memref<48x128xi32, #tpu.memory_space<hbm>>
    %dma_start3A_54 = tpu.memref_slice %arg4[%add3A_52, %add3A_3] : memref<6144x512xi32, #tpu.memory_space<hbm>> -> memref<48x128xi32, #tpu.memory_space<hbm>>
    tpu.enqueue_dma source(%arg6 : memref<48x128xi32, #tpu.memory_space<vmem>>) target(%dma_start3A_54 : memref<48x128xi32, #tpu.memory_space<hbm>>) target_semaphore(%arg11 : memref<!tpu.dma_semaphore, #tpu.memory_space<semaphore_mem>>)
    %dma_wait3A_55 = tpu.memref_slice %arg4[%add3A_52, %add3A_3] : memref<6144x512xi32, #tpu.memory_space<hbm>> -> memref<48x128xi32, #tpu.memory_space<hbm>>
    %dma_wait3A_56 = tpu.memref_slice %arg4[%add3A_52, %add3A_3] : memref<6144x512xi32, #tpu.memory_space<hbm>> -> memref<48x128xi32, #tpu.memory_space<hbm>>
    tpu.wait_dma2 semaphore(%arg11 : memref<!tpu.dma_semaphore, #tpu.memory_space<semaphore_mem>>) src(%arg6 : memref<48x128xi32, #tpu.memory_space<vmem>>) dst(%dma_wait3A_56 : memref<48x128xi32, #tpu.memory_space<hbm>>)
    %dma_start3A_57 = arith.constant 192 : i32
    %dma_start3A_58 = tpu.memref_slice %arg5[%dma_start3A_57] : memref<384xi32, #tpu.memory_space<vmem>> -> memref<48xi32, #tpu.memory_space<vmem>>
    %dma_start3A_59 = arith.constant 0 : i32
    %dma_start3A_60 = arith.constant 0 : i32
    %dma_start3A_61 = tpu.memref_slice %arg8[%dma_start3A_59, %dma_start3A_60] : memref<2048x128xi32, #tpu.memory_space<vmem_shared>> -> memref<2048x128xi32, #tpu.memory_space<vmem_shared>>
    tpu.enqueue_indirect_dma source(%dma_start3A_61 : memref<2048x128xi32, #tpu.memory_space<vmem_shared>>) target(%arg6 : memref<48x128xi32, #tpu.memory_space<vmem>>) offsets(%dma_start3A_58 : memref<48xi32, #tpu.memory_space<vmem>>) semaphore(%arg9 : memref<!tpu.dma_semaphore, #tpu.memory_space<semaphore_mem>>)
    %dma_wait3A_62 = arith.constant 144 : i32
    %dma_wait3A_63 = tpu.memref_slice %arg5[%dma_wait3A_62] : memref<384xi32, #tpu.memory_space<vmem>> -> memref<48xi32, #tpu.memory_space<vmem>>
    %dma_wait3A_64 = arith.constant 0 : i32
    %dma_wait3A_65 = arith.constant 0 : i32
    %dma_wait3A_66 = tpu.memref_slice %arg8[%dma_wait3A_64, %dma_wait3A_65] : memref<2048x128xi32, #tpu.memory_space<vmem_shared>> -> memref<2048x128xi32, #tpu.memory_space<vmem_shared>>
    tpu.wait_indirect_dma semaphore(%arg10 : memref<!tpu.dma_semaphore, #tpu.memory_space<semaphore_mem>>) src(%dma_wait3A_66 : memref<2048x128xi32, #tpu.memory_space<vmem_shared>>) dst(%arg7 : memref<48x128xi32, #tpu.memory_space<vmem>>)
    %add3A_67 = arith.constant 144 : i32
    %add3A_68 = arith.addi %mul3A_0, %add3A_67 : i32
    %dma_start3A_69 = tpu.memref_slice %arg4[%add3A_68, %add3A_3] : memref<6144x512xi32, #tpu.memory_space<hbm>> -> memref<48x128xi32, #tpu.memory_space<hbm>>
    %dma_start3A_70 = tpu.memref_slice %arg4[%add3A_68, %add3A_3] : memref<6144x512xi32, #tpu.memory_space<hbm>> -> memref<48x128xi32, #tpu.memory_space<hbm>>
    tpu.enqueue_dma source(%arg7 : memref<48x128xi32, #tpu.memory_space<vmem>>) target(%dma_start3A_70 : memref<48x128xi32, #tpu.memory_space<hbm>>) target_semaphore(%arg12 : memref<!tpu.dma_semaphore, #tpu.memory_space<semaphore_mem>>)
    %dma_wait3A_71 = tpu.memref_slice %arg4[%add3A_68, %add3A_3] : memref<6144x512xi32, #tpu.memory_space<hbm>> -> memref<48x128xi32, #tpu.memory_space<hbm>>
    %dma_wait3A_72 = tpu.memref_slice %arg4[%add3A_68, %add3A_3] : memref<6144x512xi32, #tpu.memory_space<hbm>> -> memref<48x128xi32, #tpu.memory_space<hbm>>
    tpu.wait_dma2 semaphore(%arg12 : memref<!tpu.dma_semaphore, #tpu.memory_space<semaphore_mem>>) src(%arg7 : memref<48x128xi32, #tpu.memory_space<vmem>>) dst(%dma_wait3A_72 : memref<48x128xi32, #tpu.memory_space<hbm>>)
    %dma_start3A_73 = arith.constant 240 : i32
    %dma_start3A_74 = tpu.memref_slice %arg5[%dma_start3A_73] : memref<384xi32, #tpu.memory_space<vmem>> -> memref<48xi32, #tpu.memory_space<vmem>>
    %dma_start3A_75 = arith.constant 0 : i32
    %dma_start3A_76 = arith.constant 0 : i32
    %dma_start3A_77 = tpu.memref_slice %arg8[%dma_start3A_75, %dma_start3A_76] : memref<2048x128xi32, #tpu.memory_space<vmem_shared>> -> memref<2048x128xi32, #tpu.memory_space<vmem_shared>>
    tpu.enqueue_indirect_dma source(%dma_start3A_77 : memref<2048x128xi32, #tpu.memory_space<vmem_shared>>) target(%arg7 : memref<48x128xi32, #tpu.memory_space<vmem>>) offsets(%dma_start3A_74 : memref<48xi32, #tpu.memory_space<vmem>>) semaphore(%arg10 : memref<!tpu.dma_semaphore, #tpu.memory_space<semaphore_mem>>)
    %dma_wait3A_78 = arith.constant 192 : i32
    %dma_wait3A_79 = tpu.memref_slice %arg5[%dma_wait3A_78] : memref<384xi32, #tpu.memory_space<vmem>> -> memref<48xi32, #tpu.memory_space<vmem>>
    %dma_wait3A_80 = arith.constant 0 : i32
    %dma_wait3A_81 = arith.constant 0 : i32
    %dma_wait3A_82 = tpu.memref_slice %arg8[%dma_wait3A_80, %dma_wait3A_81] : memref<2048x128xi32, #tpu.memory_space<vmem_shared>> -> memref<2048x128xi32, #tpu.memory_space<vmem_shared>>
    tpu.wait_indirect_dma semaphore(%arg9 : memref<!tpu.dma_semaphore, #tpu.memory_space<semaphore_mem>>) src(%dma_wait3A_82 : memref<2048x128xi32, #tpu.memory_space<vmem_shared>>) dst(%arg6 : memref<48x128xi32, #tpu.memory_space<vmem>>)
    %add3A_83 = arith.constant 192 : i32
    %add3A_84 = arith.addi %mul3A_0, %add3A_83 : i32
    %dma_start3A_85 = tpu.memref_slice %arg4[%add3A_84, %add3A_3] : memref<6144x512xi32, #tpu.memory_space<hbm>> -> memref<48x128xi32, #tpu.memory_space<hbm>>
    %dma_start3A_86 = tpu.memref_slice %arg4[%add3A_84, %add3A_3] : memref<6144x512xi32, #tpu.memory_space<hbm>> -> memref<48x128xi32, #tpu.memory_space<hbm>>
    tpu.enqueue_dma source(%arg6 : memref<48x128xi32, #tpu.memory_space<vmem>>) target(%dma_start3A_86 : memref<48x128xi32, #tpu.memory_space<hbm>>) target_semaphore(%arg11 : memref<!tpu.dma_semaphore, #tpu.memory_space<semaphore_mem>>)
    %dma_wait3A_87 = tpu.memref_slice %arg4[%add3A_84, %add3A_3] : memref<6144x512xi32, #tpu.memory_space<hbm>> -> memref<48x128xi32, #tpu.memory_space<hbm>>
    %dma_wait3A_88 = tpu.memref_slice %arg4[%add3A_84, %add3A_3] : memref<6144x512xi32, #tpu.memory_space<hbm>> -> memref<48x128xi32, #tpu.memory_space<hbm>>
    tpu.wait_dma2 semaphore(%arg11 : memref<!tpu.dma_semaphore, #tpu.memory_space<semaphore_mem>>) src(%arg6 : memref<48x128xi32, #tpu.memory_space<vmem>>) dst(%dma_wait3A_88 : memref<48x128xi32, #tpu.memory_space<hbm>>)
    %dma_start3A_89 = arith.constant 288 : i32
    %dma_start3A_90 = tpu.memref_slice %arg5[%dma_start3A_89] : memref<384xi32, #tpu.memory_space<vmem>> -> memref<48xi32, #tpu.memory_space<vmem>>
    %dma_start3A_91 = arith.constant 0 : i32
    %dma_start3A_92 = arith.constant 0 : i32
    %dma_start3A_93 = tpu.memref_slice %arg8[%dma_start3A_91, %dma_start3A_92] : memref<2048x128xi32, #tpu.memory_space<vmem_shared>> -> memref<2048x128xi32, #tpu.memory_space<vmem_shared>>
    tpu.enqueue_indirect_dma source(%dma_start3A_93 : memref<2048x128xi32, #tpu.memory_space<vmem_shared>>) target(%arg6 : memref<48x128xi32, #tpu.memory_space<vmem>>) offsets(%dma_start3A_90 : memref<48xi32, #tpu.memory_space<vmem>>) semaphore(%arg9 : memref<!tpu.dma_semaphore, #tpu.memory_space<semaphore_mem>>)
    %dma_wait3A_94 = arith.constant 240 : i32
    %dma_wait3A_95 = tpu.memref_slice %arg5[%dma_wait3A_94] : memref<384xi32, #tpu.memory_space<vmem>> -> memref<48xi32, #tpu.memory_space<vmem>>
    %dma_wait3A_96 = arith.constant 0 : i32
    %dma_wait3A_97 = arith.constant 0 : i32
    %dma_wait3A_98 = tpu.memref_slice %arg8[%dma_wait3A_96, %dma_wait3A_97] : memref<2048x128xi32, #tpu.memory_space<vmem_shared>> -> memref<2048x128xi32, #tpu.memory_space<vmem_shared>>
    tpu.wait_indirect_dma semaphore(%arg10 : memref<!tpu.dma_semaphore, #tpu.memory_space<semaphore_mem>>) src(%dma_wait3A_98 : memref<2048x128xi32, #tpu.memory_space<vmem_shared>>) dst(%arg7 : memref<48x128xi32, #tpu.memory_space<vmem>>)
    %add3A_99 = arith.constant 240 : i32
    %add3A_100 = arith.addi %mul3A_0, %add3A_99 : i32
    %dma_start3A_101 = tpu.memref_slice %arg4[%add3A_100, %add3A_3] : memref<6144x512xi32, #tpu.memory_space<hbm>> -> memref<48x128xi32, #tpu.memory_space<hbm>>
    %dma_start3A_102 = tpu.memref_slice %arg4[%add3A_100, %add3A_3] : memref<6144x512xi32, #tpu.memory_space<hbm>> -> memref<48x128xi32, #tpu.memory_space<hbm>>
    tpu.enqueue_dma source(%arg7 : memref<48x128xi32, #tpu.memory_space<vmem>>) target(%dma_start3A_102 : memref<48x128xi32, #tpu.memory_space<hbm>>) target_semaphore(%arg12 : memref<!tpu.dma_semaphore, #tpu.memory_space<semaphore_mem>>)
    %dma_wait3A_103 = tpu.memref_slice %arg4[%add3A_100, %add3A_3] : memref<6144x512xi32, #tpu.memory_space<hbm>> -> memref<48x128xi32, #tpu.memory_space<hbm>>
    %dma_wait3A_104 = tpu.memref_slice %arg4[%add3A_100, %add3A_3] : memref<6144x512xi32, #tpu.memory_space<hbm>> -> memref<48x128xi32, #tpu.memory_space<hbm>>
    tpu.wait_dma2 semaphore(%arg12 : memref<!tpu.dma_semaphore, #tpu.memory_space<semaphore_mem>>) src(%arg7 : memref<48x128xi32, #tpu.memory_space<vmem>>) dst(%dma_wait3A_104 : memref<48x128xi32, #tpu.memory_space<hbm>>)
    %dma_start3A_105 = arith.constant 336 : i32
    %dma_start3A_106 = tpu.memref_slice %arg5[%dma_start3A_105] : memref<384xi32, #tpu.memory_space<vmem>> -> memref<48xi32, #tpu.memory_space<vmem>>
    %dma_start3A_107 = arith.constant 0 : i32
    %dma_start3A_108 = arith.constant 0 : i32
    %dma_start3A_109 = tpu.memref_slice %arg8[%dma_start3A_107, %dma_start3A_108] : memref<2048x128xi32, #tpu.memory_space<vmem_shared>> -> memref<2048x128xi32, #tpu.memory_space<vmem_shared>>
    tpu.enqueue_indirect_dma source(%dma_start3A_109 : memref<2048x128xi32, #tpu.memory_space<vmem_shared>>) target(%arg7 : memref<48x128xi32, #tpu.memory_space<vmem>>) offsets(%dma_start3A_106 : memref<48xi32, #tpu.memory_space<vmem>>) semaphore(%arg10 : memref<!tpu.dma_semaphore, #tpu.memory_space<semaphore_mem>>)
    %dma_wait3A_110 = arith.constant 288 : i32
    %dma_wait3A_111 = tpu.memref_slice %arg5[%dma_wait3A_110] : memref<384xi32, #tpu.memory_space<vmem>> -> memref<48xi32, #tpu.memory_space<vmem>>
    %dma_wait3A_112 = arith.constant 0 : i32
    %dma_wait3A_113 = arith.constant 0 : i32
    %dma_wait3A_114 = tpu.memref_slice %arg8[%dma_wait3A_112, %dma_wait3A_113] : memref<2048x128xi32, #tpu.memory_space<vmem_shared>> -> memref<2048x128xi32, #tpu.memory_space<vmem_shared>>
    tpu.wait_indirect_dma semaphore(%arg9 : memref<!tpu.dma_semaphore, #tpu.memory_space<semaphore_mem>>) src(%dma_wait3A_114 : memref<2048x128xi32, #tpu.memory_space<vmem_shared>>) dst(%arg6 : memref<48x128xi32, #tpu.memory_space<vmem>>)
    %add3A_115 = arith.constant 288 : i32
    %add3A_116 = arith.addi %mul3A_0, %add3A_115 : i32
    %dma_start3A_117 = tpu.memref_slice %arg4[%add3A_116, %add3A_3] : memref<6144x512xi32, #tpu.memory_space<hbm>> -> memref<48x128xi32, #tpu.memory_space<hbm>>
    %dma_start3A_118 = tpu.memref_slice %arg4[%add3A_116, %add3A_3] : memref<6144x512xi32, #tpu.memory_space<hbm>> -> memref<48x128xi32, #tpu.memory_space<hbm>>
    tpu.enqueue_dma source(%arg6 : memref<48x128xi32, #tpu.memory_space<vmem>>) target(%dma_start3A_118 : memref<48x128xi32, #tpu.memory_space<hbm>>) target_semaphore(%arg11 : memref<!tpu.dma_semaphore, #tpu.memory_space<semaphore_mem>>)
    %dma_wait3A_119 = arith.constant 336 : i32
    %dma_wait3A_120 = tpu.memref_slice %arg5[%dma_wait3A_119] : memref<384xi32, #tpu.memory_space<vmem>> -> memref<48xi32, #tpu.memory_space<vmem>>
    %dma_wait3A_121 = arith.constant 0 : i32
    %dma_wait3A_122 = arith.constant 0 : i32
    %dma_wait3A_123 = tpu.memref_slice %arg8[%dma_wait3A_121, %dma_wait3A_122] : memref<2048x128xi32, #tpu.memory_space<vmem_shared>> -> memref<2048x128xi32, #tpu.memory_space<vmem_shared>>
    tpu.wait_indirect_dma semaphore(%arg10 : memref<!tpu.dma_semaphore, #tpu.memory_space<semaphore_mem>>) src(%dma_wait3A_123 : memref<2048x128xi32, #tpu.memory_space<vmem_shared>>) dst(%arg7 : memref<48x128xi32, #tpu.memory_space<vmem>>)
    %add3A_124 = arith.constant 336 : i32
    %add3A_125 = arith.addi %mul3A_0, %add3A_124 : i32
    %dma_start3A_126 = tpu.memref_slice %arg4[%add3A_125, %add3A_3] : memref<6144x512xi32, #tpu.memory_space<hbm>> -> memref<48x128xi32, #tpu.memory_space<hbm>>
    %dma_start3A_127 = tpu.memref_slice %arg4[%add3A_125, %add3A_3] : memref<6144x512xi32, #tpu.memory_space<hbm>> -> memref<48x128xi32, #tpu.memory_space<hbm>>
    tpu.enqueue_dma source(%arg7 : memref<48x128xi32, #tpu.memory_space<vmem>>) target(%dma_start3A_127 : memref<48x128xi32, #tpu.memory_space<hbm>>) target_semaphore(%arg12 : memref<!tpu.dma_semaphore, #tpu.memory_space<semaphore_mem>>)
    %dma_wait3A_128 = tpu.memref_slice %arg4[%add3A_116, %add3A_3] : memref<6144x512xi32, #tpu.memory_space<hbm>> -> memref<48x128xi32, #tpu.memory_space<hbm>>
    %dma_wait3A_129 = tpu.memref_slice %arg4[%add3A_116, %add3A_3] : memref<6144x512xi32, #tpu.memory_space<hbm>> -> memref<48x128xi32, #tpu.memory_space<hbm>>
    tpu.wait_dma2 semaphore(%arg11 : memref<!tpu.dma_semaphore, #tpu.memory_space<semaphore_mem>>) src(%arg6 : memref<48x128xi32, #tpu.memory_space<vmem>>) dst(%dma_wait3A_129 : memref<48x128xi32, #tpu.memory_space<hbm>>)
    %dma_wait3A_130 = tpu.memref_slice %arg4[%add3A_125, %add3A_3] : memref<6144x512xi32, #tpu.memory_space<hbm>> -> memref<48x128xi32, #tpu.memory_space<hbm>>
    %dma_wait3A_131 = tpu.memref_slice %arg4[%add3A_125, %add3A_3] : memref<6144x512xi32, #tpu.memory_space<hbm>> -> memref<48x128xi32, #tpu.memory_space<hbm>>
    tpu.wait_dma2 semaphore(%arg12 : memref<!tpu.dma_semaphore, #tpu.memory_space<semaphore_mem>>) src(%arg7 : memref<48x128xi32, #tpu.memory_space<vmem>>) dst(%dma_wait3A_131 : memref<48x128xi32, #tpu.memory_space<hbm>>)
    %mul3A_132 = arith.constant 256 : i32
    %mul3A_133 = arith.muli %arg0, %mul3A_132 : i32
    %add3A_134 = arith.constant 128 : i32
    %add3A_135 = arith.addi %mul3A_133, %add3A_134 : i32
    %barrier3A_136 = arith.constant 0 : index
    tpu.barrier barrier_id(%barrier3A_136)
    %eq3A_137 = arith.constant 0 : i32
    %eq3A_138 = arith.cmpi eq, %arg1, %eq3A_137 : i32
    %convert_element_type3A_139 = arith.extui %eq3A_138 : i1 to i32
    %cond3A_140 = arith.constant 0 : i32
    %cond3A_141 = arith.cmpi ne, %convert_element_type3A_139, %cond3A_140 : i32
    scf.if %cond3A_141 {
      "tpu.region"() ({
        %run_scoped3A = tpu.sem_alloc : memref<!tpu.dma_semaphore, #tpu.memory_space<semaphore_mem>>
        %dma_start3A_271 = arith.constant 0 : i32
        %dma_start3A_272 = tpu.memref_slice %arg2[%dma_start3A_271, %add3A_135] : memref<2048x512xi32, #tpu.memory_space<hbm>> -> memref<2048x128xi32, #tpu.memory_space<hbm>>
        tpu.enqueue_dma source(%dma_start3A_272 : memref<2048x128xi32, #tpu.memory_space<hbm>>) target(%arg8 : memref<2048x128xi32, #tpu.memory_space<vmem_shared>>) target_semaphore(%run_scoped3A : memref<!tpu.dma_semaphore, #tpu.memory_space<semaphore_mem>>)
        %dma_wait3A_273 = arith.constant 0 : i32
        %dma_wait3A_274 = tpu.memref_slice %arg2[%dma_wait3A_273, %add3A_135] : memref<2048x512xi32, #tpu.memory_space<hbm>> -> memref<2048x128xi32, #tpu.memory_space<hbm>>
        tpu.wait_dma2 semaphore(%run_scoped3A : memref<!tpu.dma_semaphore, #tpu.memory_space<semaphore_mem>>) src(%dma_wait3A_274 : memref<2048x128xi32, #tpu.memory_space<hbm>>) dst(%arg8 : memref<2048x128xi32, #tpu.memory_space<vmem_shared>>)
        tpu.yield
      }) : () -> ()
    } else {
    }
    %barrier3A_142 = arith.constant 0 : index
    tpu.barrier barrier_id(%barrier3A_142)
    %dma_start3A_143 = arith.constant 0 : i32
    %dma_start3A_144 = tpu.memref_slice %arg5[%dma_start3A_143] : memref<384xi32, #tpu.memory_space<vmem>> -> memref<48xi32, #tpu.memory_space<vmem>>
    %dma_start3A_145 = arith.constant 0 : i32
    %dma_start3A_146 = arith.constant 0 : i32
    %dma_start3A_147 = tpu.memref_slice %arg8[%dma_start3A_145, %dma_start3A_146] : memref<2048x128xi32, #tpu.memory_space<vmem_shared>> -> memref<2048x128xi32, #tpu.memory_space<vmem_shared>>
    tpu.enqueue_indirect_dma source(%dma_start3A_147 : memref<2048x128xi32, #tpu.memory_space<vmem_shared>>) target(%arg6 : memref<48x128xi32, #tpu.memory_space<vmem>>) offsets(%dma_start3A_144 : memref<48xi32, #tpu.memory_space<vmem>>) semaphore(%arg9 : memref<!tpu.dma_semaphore, #tpu.memory_space<semaphore_mem>>)
    %dma_start3A_148 = arith.constant 48 : i32
    %dma_start3A_149 = tpu.memref_slice %arg5[%dma_start3A_148] : memref<384xi32, #tpu.memory_space<vmem>> -> memref<48xi32, #tpu.memory_space<vmem>>
    %dma_start3A_150 = arith.constant 0 : i32
    %dma_start3A_151 = arith.constant 0 : i32
    %dma_start3A_152 = tpu.memref_slice %arg8[%dma_start3A_150, %dma_start3A_151] : memref<2048x128xi32, #tpu.memory_space<vmem_shared>> -> memref<2048x128xi32, #tpu.memory_space<vmem_shared>>
    tpu.enqueue_indirect_dma source(%dma_start3A_152 : memref<2048x128xi32, #tpu.memory_space<vmem_shared>>) target(%arg7 : memref<48x128xi32, #tpu.memory_space<vmem>>) offsets(%dma_start3A_149 : memref<48xi32, #tpu.memory_space<vmem>>) semaphore(%arg10 : memref<!tpu.dma_semaphore, #tpu.memory_space<semaphore_mem>>)
    %dma_wait3A_153 = arith.constant 0 : i32
    %dma_wait3A_154 = tpu.memref_slice %arg5[%dma_wait3A_153] : memref<384xi32, #tpu.memory_space<vmem>> -> memref<48xi32, #tpu.memory_space<vmem>>
    %dma_wait3A_155 = arith.constant 0 : i32
    %dma_wait3A_156 = arith.constant 0 : i32
    %dma_wait3A_157 = tpu.memref_slice %arg8[%dma_wait3A_155, %dma_wait3A_156] : memref<2048x128xi32, #tpu.memory_space<vmem_shared>> -> memref<2048x128xi32, #tpu.memory_space<vmem_shared>>
    tpu.wait_indirect_dma semaphore(%arg9 : memref<!tpu.dma_semaphore, #tpu.memory_space<semaphore_mem>>) src(%dma_wait3A_157 : memref<2048x128xi32, #tpu.memory_space<vmem_shared>>) dst(%arg6 : memref<48x128xi32, #tpu.memory_space<vmem>>)
    %add3A_158 = arith.constant 0 : i32
    %add3A_159 = arith.addi %mul3A_0, %add3A_158 : i32
    %dma_start3A_160 = tpu.memref_slice %arg4[%add3A_159, %add3A_135] : memref<6144x512xi32, #tpu.memory_space<hbm>> -> memref<48x128xi32, #tpu.memory_space<hbm>>
    %dma_start3A_161 = tpu.memref_slice %arg4[%add3A_159, %add3A_135] : memref<6144x512xi32, #tpu.memory_space<hbm>> -> memref<48x128xi32, #tpu.memory_space<hbm>>
    tpu.enqueue_dma source(%arg6 : memref<48x128xi32, #tpu.memory_space<vmem>>) target(%dma_start3A_161 : memref<48x128xi32, #tpu.memory_space<hbm>>) target_semaphore(%arg11 : memref<!tpu.dma_semaphore, #tpu.memory_space<semaphore_mem>>)
    %dma_wait3A_162 = tpu.memref_slice %arg4[%add3A_159, %add3A_135] : memref<6144x512xi32, #tpu.memory_space<hbm>> -> memref<48x128xi32, #tpu.memory_space<hbm>>
    %dma_wait3A_163 = tpu.memref_slice %arg4[%add3A_159, %add3A_135] : memref<6144x512xi32, #tpu.memory_space<hbm>> -> memref<48x128xi32, #tpu.memory_space<hbm>>
    tpu.wait_dma2 semaphore(%arg11 : memref<!tpu.dma_semaphore, #tpu.memory_space<semaphore_mem>>) src(%arg6 : memref<48x128xi32, #tpu.memory_space<vmem>>) dst(%dma_wait3A_163 : memref<48x128xi32, #tpu.memory_space<hbm>>)
    %dma_start3A_164 = arith.constant 96 : i32
    %dma_start3A_165 = tpu.memref_slice %arg5[%dma_start3A_164] : memref<384xi32, #tpu.memory_space<vmem>> -> memref<48xi32, #tpu.memory_space<vmem>>
    %dma_start3A_166 = arith.constant 0 : i32
    %dma_start3A_167 = arith.constant 0 : i32
    %dma_start3A_168 = tpu.memref_slice %arg8[%dma_start3A_166, %dma_start3A_167] : memref<2048x128xi32, #tpu.memory_space<vmem_shared>> -> memref<2048x128xi32, #tpu.memory_space<vmem_shared>>
    tpu.enqueue_indirect_dma source(%dma_start3A_168 : memref<2048x128xi32, #tpu.memory_space<vmem_shared>>) target(%arg6 : memref<48x128xi32, #tpu.memory_space<vmem>>) offsets(%dma_start3A_165 : memref<48xi32, #tpu.memory_space<vmem>>) semaphore(%arg9 : memref<!tpu.dma_semaphore, #tpu.memory_space<semaphore_mem>>)
    %dma_wait3A_169 = arith.constant 48 : i32
    %dma_wait3A_170 = tpu.memref_slice %arg5[%dma_wait3A_169] : memref<384xi32, #tpu.memory_space<vmem>> -> memref<48xi32, #tpu.memory_space<vmem>>
    %dma_wait3A_171 = arith.constant 0 : i32
    %dma_wait3A_172 = arith.constant 0 : i32
    %dma_wait3A_173 = tpu.memref_slice %arg8[%dma_wait3A_171, %dma_wait3A_172] : memref<2048x128xi32, #tpu.memory_space<vmem_shared>> -> memref<2048x128xi32, #tpu.memory_space<vmem_shared>>
    tpu.wait_indirect_dma semaphore(%arg10 : memref<!tpu.dma_semaphore, #tpu.memory_space<semaphore_mem>>) src(%dma_wait3A_173 : memref<2048x128xi32, #tpu.memory_space<vmem_shared>>) dst(%arg7 : memref<48x128xi32, #tpu.memory_space<vmem>>)
    %add3A_174 = arith.constant 48 : i32
    %add3A_175 = arith.addi %mul3A_0, %add3A_174 : i32
    %dma_start3A_176 = tpu.memref_slice %arg4[%add3A_175, %add3A_135] : memref<6144x512xi32, #tpu.memory_space<hbm>> -> memref<48x128xi32, #tpu.memory_space<hbm>>
    %dma_start3A_177 = tpu.memref_slice %arg4[%add3A_175, %add3A_135] : memref<6144x512xi32, #tpu.memory_space<hbm>> -> memref<48x128xi32, #tpu.memory_space<hbm>>
    tpu.enqueue_dma source(%arg7 : memref<48x128xi32, #tpu.memory_space<vmem>>) target(%dma_start3A_177 : memref<48x128xi32, #tpu.memory_space<hbm>>) target_semaphore(%arg12 : memref<!tpu.dma_semaphore, #tpu.memory_space<semaphore_mem>>)
    %dma_wait3A_178 = tpu.memref_slice %arg4[%add3A_175, %add3A_135] : memref<6144x512xi32, #tpu.memory_space<hbm>> -> memref<48x128xi32, #tpu.memory_space<hbm>>
    %dma_wait3A_179 = tpu.memref_slice %arg4[%add3A_175, %add3A_135] : memref<6144x512xi32, #tpu.memory_space<hbm>> -> memref<48x128xi32, #tpu.memory_space<hbm>>
    tpu.wait_dma2 semaphore(%arg12 : memref<!tpu.dma_semaphore, #tpu.memory_space<semaphore_mem>>) src(%arg7 : memref<48x128xi32, #tpu.memory_space<vmem>>) dst(%dma_wait3A_179 : memref<48x128xi32, #tpu.memory_space<hbm>>)
    %dma_start3A_180 = arith.constant 144 : i32
    %dma_start3A_181 = tpu.memref_slice %arg5[%dma_start3A_180] : memref<384xi32, #tpu.memory_space<vmem>> -> memref<48xi32, #tpu.memory_space<vmem>>
    %dma_start3A_182 = arith.constant 0 : i32
    %dma_start3A_183 = arith.constant 0 : i32
    %dma_start3A_184 = tpu.memref_slice %arg8[%dma_start3A_182, %dma_start3A_183] : memref<2048x128xi32, #tpu.memory_space<vmem_shared>> -> memref<2048x128xi32, #tpu.memory_space<vmem_shared>>
    tpu.enqueue_indirect_dma source(%dma_start3A_184 : memref<2048x128xi32, #tpu.memory_space<vmem_shared>>) target(%arg7 : memref<48x128xi32, #tpu.memory_space<vmem>>) offsets(%dma_start3A_181 : memref<48xi32, #tpu.memory_space<vmem>>) semaphore(%arg10 : memref<!tpu.dma_semaphore, #tpu.memory_space<semaphore_mem>>)
    %dma_wait3A_185 = arith.constant 96 : i32
    %dma_wait3A_186 = tpu.memref_slice %arg5[%dma_wait3A_185] : memref<384xi32, #tpu.memory_space<vmem>> -> memref<48xi32, #tpu.memory_space<vmem>>
    %dma_wait3A_187 = arith.constant 0 : i32
    %dma_wait3A_188 = arith.constant 0 : i32
    %dma_wait3A_189 = tpu.memref_slice %arg8[%dma_wait3A_187, %dma_wait3A_188] : memref<2048x128xi32, #tpu.memory_space<vmem_shared>> -> memref<2048x128xi32, #tpu.memory_space<vmem_shared>>
    tpu.wait_indirect_dma semaphore(%arg9 : memref<!tpu.dma_semaphore, #tpu.memory_space<semaphore_mem>>) src(%dma_wait3A_189 : memref<2048x128xi32, #tpu.memory_space<vmem_shared>>) dst(%arg6 : memref<48x128xi32, #tpu.memory_space<vmem>>)
    %add3A_190 = arith.constant 96 : i32
    %add3A_191 = arith.addi %mul3A_0, %add3A_190 : i32
    %dma_start3A_192 = tpu.memref_slice %arg4[%add3A_191, %add3A_135] : memref<6144x512xi32, #tpu.memory_space<hbm>> -> memref<48x128xi32, #tpu.memory_space<hbm>>
    %dma_start3A_193 = tpu.memref_slice %arg4[%add3A_191, %add3A_135] : memref<6144x512xi32, #tpu.memory_space<hbm>> -> memref<48x128xi32, #tpu.memory_space<hbm>>
    tpu.enqueue_dma source(%arg6 : memref<48x128xi32, #tpu.memory_space<vmem>>) target(%dma_start3A_193 : memref<48x128xi32, #tpu.memory_space<hbm>>) target_semaphore(%arg11 : memref<!tpu.dma_semaphore, #tpu.memory_space<semaphore_mem>>)
    %dma_wait3A_194 = tpu.memref_slice %arg4[%add3A_191, %add3A_135] : memref<6144x512xi32, #tpu.memory_space<hbm>> -> memref<48x128xi32, #tpu.memory_space<hbm>>
    %dma_wait3A_195 = tpu.memref_slice %arg4[%add3A_191, %add3A_135] : memref<6144x512xi32, #tpu.memory_space<hbm>> -> memref<48x128xi32, #tpu.memory_space<hbm>>
    tpu.wait_dma2 semaphore(%arg11 : memref<!tpu.dma_semaphore, #tpu.memory_space<semaphore_mem>>) src(%arg6 : memref<48x128xi32, #tpu.memory_space<vmem>>) dst(%dma_wait3A_195 : memref<48x128xi32, #tpu.memory_space<hbm>>)
    %dma_start3A_196 = arith.constant 192 : i32
    %dma_start3A_197 = tpu.memref_slice %arg5[%dma_start3A_196] : memref<384xi32, #tpu.memory_space<vmem>> -> memref<48xi32, #tpu.memory_space<vmem>>
    %dma_start3A_198 = arith.constant 0 : i32
    %dma_start3A_199 = arith.constant 0 : i32
    %dma_start3A_200 = tpu.memref_slice %arg8[%dma_start3A_198, %dma_start3A_199] : memref<2048x128xi32, #tpu.memory_space<vmem_shared>> -> memref<2048x128xi32, #tpu.memory_space<vmem_shared>>
    tpu.enqueue_indirect_dma source(%dma_start3A_200 : memref<2048x128xi32, #tpu.memory_space<vmem_shared>>) target(%arg6 : memref<48x128xi32, #tpu.memory_space<vmem>>) offsets(%dma_start3A_197 : memref<48xi32, #tpu.memory_space<vmem>>) semaphore(%arg9 : memref<!tpu.dma_semaphore, #tpu.memory_space<semaphore_mem>>)
    %dma_wait3A_201 = arith.constant 144 : i32
    %dma_wait3A_202 = tpu.memref_slice %arg5[%dma_wait3A_201] : memref<384xi32, #tpu.memory_space<vmem>> -> memref<48xi32, #tpu.memory_space<vmem>>
    %dma_wait3A_203 = arith.constant 0 : i32
    %dma_wait3A_204 = arith.constant 0 : i32
    %dma_wait3A_205 = tpu.memref_slice %arg8[%dma_wait3A_203, %dma_wait3A_204] : memref<2048x128xi32, #tpu.memory_space<vmem_shared>> -> memref<2048x128xi32, #tpu.memory_space<vmem_shared>>
    tpu.wait_indirect_dma semaphore(%arg10 : memref<!tpu.dma_semaphore, #tpu.memory_space<semaphore_mem>>) src(%dma_wait3A_205 : memref<2048x128xi32, #tpu.memory_space<vmem_shared>>) dst(%arg7 : memref<48x128xi32, #tpu.memory_space<vmem>>)
    %add3A_206 = arith.constant 144 : i32
    %add3A_207 = arith.addi %mul3A_0, %add3A_206 : i32
    %dma_start3A_208 = tpu.memref_slice %arg4[%add3A_207, %add3A_135] : memref<6144x512xi32, #tpu.memory_space<hbm>> -> memref<48x128xi32, #tpu.memory_space<hbm>>
    %dma_start3A_209 = tpu.memref_slice %arg4[%add3A_207, %add3A_135] : memref<6144x512xi32, #tpu.memory_space<hbm>> -> memref<48x128xi32, #tpu.memory_space<hbm>>
    tpu.enqueue_dma source(%arg7 : memref<48x128xi32, #tpu.memory_space<vmem>>) target(%dma_start3A_209 : memref<48x128xi32, #tpu.memory_space<hbm>>) target_semaphore(%arg12 : memref<!tpu.dma_semaphore, #tpu.memory_space<semaphore_mem>>)
    %dma_wait3A_210 = tpu.memref_slice %arg4[%add3A_207, %add3A_135] : memref<6144x512xi32, #tpu.memory_space<hbm>> -> memref<48x128xi32, #tpu.memory_space<hbm>>
    %dma_wait3A_211 = tpu.memref_slice %arg4[%add3A_207, %add3A_135] : memref<6144x512xi32, #tpu.memory_space<hbm>> -> memref<48x128xi32, #tpu.memory_space<hbm>>
    tpu.wait_dma2 semaphore(%arg12 : memref<!tpu.dma_semaphore, #tpu.memory_space<semaphore_mem>>) src(%arg7 : memref<48x128xi32, #tpu.memory_space<vmem>>) dst(%dma_wait3A_211 : memref<48x128xi32, #tpu.memory_space<hbm>>)
    %dma_start3A_212 = arith.constant 240 : i32
    %dma_start3A_213 = tpu.memref_slice %arg5[%dma_start3A_212] : memref<384xi32, #tpu.memory_space<vmem>> -> memref<48xi32, #tpu.memory_space<vmem>>
    %dma_start3A_214 = arith.constant 0 : i32
    %dma_start3A_215 = arith.constant 0 : i32
    %dma_start3A_216 = tpu.memref_slice %arg8[%dma_start3A_214, %dma_start3A_215] : memref<2048x128xi32, #tpu.memory_space<vmem_shared>> -> memref<2048x128xi32, #tpu.memory_space<vmem_shared>>
    tpu.enqueue_indirect_dma source(%dma_start3A_216 : memref<2048x128xi32, #tpu.memory_space<vmem_shared>>) target(%arg7 : memref<48x128xi32, #tpu.memory_space<vmem>>) offsets(%dma_start3A_213 : memref<48xi32, #tpu.memory_space<vmem>>) semaphore(%arg10 : memref<!tpu.dma_semaphore, #tpu.memory_space<semaphore_mem>>)
    %dma_wait3A_217 = arith.constant 192 : i32
    %dma_wait3A_218 = tpu.memref_slice %arg5[%dma_wait3A_217] : memref<384xi32, #tpu.memory_space<vmem>> -> memref<48xi32, #tpu.memory_space<vmem>>
    %dma_wait3A_219 = arith.constant 0 : i32
    %dma_wait3A_220 = arith.constant 0 : i32
    %dma_wait3A_221 = tpu.memref_slice %arg8[%dma_wait3A_219, %dma_wait3A_220] : memref<2048x128xi32, #tpu.memory_space<vmem_shared>> -> memref<2048x128xi32, #tpu.memory_space<vmem_shared>>
    tpu.wait_indirect_dma semaphore(%arg9 : memref<!tpu.dma_semaphore, #tpu.memory_space<semaphore_mem>>) src(%dma_wait3A_221 : memref<2048x128xi32, #tpu.memory_space<vmem_shared>>) dst(%arg6 : memref<48x128xi32, #tpu.memory_space<vmem>>)
    %add3A_222 = arith.constant 192 : i32
    %add3A_223 = arith.addi %mul3A_0, %add3A_222 : i32
    %dma_start3A_224 = tpu.memref_slice %arg4[%add3A_223, %add3A_135] : memref<6144x512xi32, #tpu.memory_space<hbm>> -> memref<48x128xi32, #tpu.memory_space<hbm>>
    %dma_start3A_225 = tpu.memref_slice %arg4[%add3A_223, %add3A_135] : memref<6144x512xi32, #tpu.memory_space<hbm>> -> memref<48x128xi32, #tpu.memory_space<hbm>>
    tpu.enqueue_dma source(%arg6 : memref<48x128xi32, #tpu.memory_space<vmem>>) target(%dma_start3A_225 : memref<48x128xi32, #tpu.memory_space<hbm>>) target_semaphore(%arg11 : memref<!tpu.dma_semaphore, #tpu.memory_space<semaphore_mem>>)
    %dma_wait3A_226 = tpu.memref_slice %arg4[%add3A_223, %add3A_135] : memref<6144x512xi32, #tpu.memory_space<hbm>> -> memref<48x128xi32, #tpu.memory_space<hbm>>
    %dma_wait3A_227 = tpu.memref_slice %arg4[%add3A_223, %add3A_135] : memref<6144x512xi32, #tpu.memory_space<hbm>> -> memref<48x128xi32, #tpu.memory_space<hbm>>
    tpu.wait_dma2 semaphore(%arg11 : memref<!tpu.dma_semaphore, #tpu.memory_space<semaphore_mem>>) src(%arg6 : memref<48x128xi32, #tpu.memory_space<vmem>>) dst(%dma_wait3A_227 : memref<48x128xi32, #tpu.memory_space<hbm>>)
    %dma_start3A_228 = arith.constant 288 : i32
    %dma_start3A_229 = tpu.memref_slice %arg5[%dma_start3A_228] : memref<384xi32, #tpu.memory_space<vmem>> -> memref<48xi32, #tpu.memory_space<vmem>>
    %dma_start3A_230 = arith.constant 0 : i32
    %dma_start3A_231 = arith.constant 0 : i32
    %dma_start3A_232 = tpu.memref_slice %arg8[%dma_start3A_230, %dma_start3A_231] : memref<2048x128xi32, #tpu.memory_space<vmem_shared>> -> memref<2048x128xi32, #tpu.memory_space<vmem_shared>>
    tpu.enqueue_indirect_dma source(%dma_start3A_232 : memref<2048x128xi32, #tpu.memory_space<vmem_shared>>) target(%arg6 : memref<48x128xi32, #tpu.memory_space<vmem>>) offsets(%dma_start3A_229 : memref<48xi32, #tpu.memory_space<vmem>>) semaphore(%arg9 : memref<!tpu.dma_semaphore, #tpu.memory_space<semaphore_mem>>)
    %dma_wait3A_233 = arith.constant 240 : i32
    %dma_wait3A_234 = tpu.memref_slice %arg5[%dma_wait3A_233] : memref<384xi32, #tpu.memory_space<vmem>> -> memref<48xi32, #tpu.memory_space<vmem>>
    %dma_wait3A_235 = arith.constant 0 : i32
    %dma_wait3A_236 = arith.constant 0 : i32
    %dma_wait3A_237 = tpu.memref_slice %arg8[%dma_wait3A_235, %dma_wait3A_236] : memref<2048x128xi32, #tpu.memory_space<vmem_shared>> -> memref<2048x128xi32, #tpu.memory_space<vmem_shared>>
    tpu.wait_indirect_dma semaphore(%arg10 : memref<!tpu.dma_semaphore, #tpu.memory_space<semaphore_mem>>) src(%dma_wait3A_237 : memref<2048x128xi32, #tpu.memory_space<vmem_shared>>) dst(%arg7 : memref<48x128xi32, #tpu.memory_space<vmem>>)
    %add3A_238 = arith.constant 240 : i32
    %add3A_239 = arith.addi %mul3A_0, %add3A_238 : i32
    %dma_start3A_240 = tpu.memref_slice %arg4[%add3A_239, %add3A_135] : memref<6144x512xi32, #tpu.memory_space<hbm>> -> memref<48x128xi32, #tpu.memory_space<hbm>>
    %dma_start3A_241 = tpu.memref_slice %arg4[%add3A_239, %add3A_135] : memref<6144x512xi32, #tpu.memory_space<hbm>> -> memref<48x128xi32, #tpu.memory_space<hbm>>
    tpu.enqueue_dma source(%arg7 : memref<48x128xi32, #tpu.memory_space<vmem>>) target(%dma_start3A_241 : memref<48x128xi32, #tpu.memory_space<hbm>>) target_semaphore(%arg12 : memref<!tpu.dma_semaphore, #tpu.memory_space<semaphore_mem>>)
    %dma_wait3A_242 = tpu.memref_slice %arg4[%add3A_239, %add3A_135] : memref<6144x512xi32, #tpu.memory_space<hbm>> -> memref<48x128xi32, #tpu.memory_space<hbm>>
    %dma_wait3A_243 = tpu.memref_slice %arg4[%add3A_239, %add3A_135] : memref<6144x512xi32, #tpu.memory_space<hbm>> -> memref<48x128xi32, #tpu.memory_space<hbm>>
    tpu.wait_dma2 semaphore(%arg12 : memref<!tpu.dma_semaphore, #tpu.memory_space<semaphore_mem>>) src(%arg7 : memref<48x128xi32, #tpu.memory_space<vmem>>) dst(%dma_wait3A_243 : memref<48x128xi32, #tpu.memory_space<hbm>>)
    %dma_start3A_244 = arith.constant 336 : i32
    %dma_start3A_245 = tpu.memref_slice %arg5[%dma_start3A_244] : memref<384xi32, #tpu.memory_space<vmem>> -> memref<48xi32, #tpu.memory_space<vmem>>
    %dma_start3A_246 = arith.constant 0 : i32
    %dma_start3A_247 = arith.constant 0 : i32
    %dma_start3A_248 = tpu.memref_slice %arg8[%dma_start3A_246, %dma_start3A_247] : memref<2048x128xi32, #tpu.memory_space<vmem_shared>> -> memref<2048x128xi32, #tpu.memory_space<vmem_shared>>
    tpu.enqueue_indirect_dma source(%dma_start3A_248 : memref<2048x128xi32, #tpu.memory_space<vmem_shared>>) target(%arg7 : memref<48x128xi32, #tpu.memory_space<vmem>>) offsets(%dma_start3A_245 : memref<48xi32, #tpu.memory_space<vmem>>) semaphore(%arg10 : memref<!tpu.dma_semaphore, #tpu.memory_space<semaphore_mem>>)
    %dma_wait3A_249 = arith.constant 288 : i32
    %dma_wait3A_250 = tpu.memref_slice %arg5[%dma_wait3A_249] : memref<384xi32, #tpu.memory_space<vmem>> -> memref<48xi32, #tpu.memory_space<vmem>>
    %dma_wait3A_251 = arith.constant 0 : i32
    %dma_wait3A_252 = arith.constant 0 : i32
    %dma_wait3A_253 = tpu.memref_slice %arg8[%dma_wait3A_251, %dma_wait3A_252] : memref<2048x128xi32, #tpu.memory_space<vmem_shared>> -> memref<2048x128xi32, #tpu.memory_space<vmem_shared>>
    tpu.wait_indirect_dma semaphore(%arg9 : memref<!tpu.dma_semaphore, #tpu.memory_space<semaphore_mem>>) src(%dma_wait3A_253 : memref<2048x128xi32, #tpu.memory_space<vmem_shared>>) dst(%arg6 : memref<48x128xi32, #tpu.memory_space<vmem>>)
    %add3A_254 = arith.constant 288 : i32
    %add3A_255 = arith.addi %mul3A_0, %add3A_254 : i32
    %dma_start3A_256 = tpu.memref_slice %arg4[%add3A_255, %add3A_135] : memref<6144x512xi32, #tpu.memory_space<hbm>> -> memref<48x128xi32, #tpu.memory_space<hbm>>
    %dma_start3A_257 = tpu.memref_slice %arg4[%add3A_255, %add3A_135] : memref<6144x512xi32, #tpu.memory_space<hbm>> -> memref<48x128xi32, #tpu.memory_space<hbm>>
    tpu.enqueue_dma source(%arg6 : memref<48x128xi32, #tpu.memory_space<vmem>>) target(%dma_start3A_257 : memref<48x128xi32, #tpu.memory_space<hbm>>) target_semaphore(%arg11 : memref<!tpu.dma_semaphore, #tpu.memory_space<semaphore_mem>>)
    %dma_wait3A_258 = arith.constant 336 : i32
    %dma_wait3A_259 = tpu.memref_slice %arg5[%dma_wait3A_258] : memref<384xi32, #tpu.memory_space<vmem>> -> memref<48xi32, #tpu.memory_space<vmem>>
    %dma_wait3A_260 = arith.constant 0 : i32
    %dma_wait3A_261 = arith.constant 0 : i32
    %dma_wait3A_262 = tpu.memref_slice %arg8[%dma_wait3A_260, %dma_wait3A_261] : memref<2048x128xi32, #tpu.memory_space<vmem_shared>> -> memref<2048x128xi32, #tpu.memory_space<vmem_shared>>
    tpu.wait_indirect_dma semaphore(%arg10 : memref<!tpu.dma_semaphore, #tpu.memory_space<semaphore_mem>>) src(%dma_wait3A_262 : memref<2048x128xi32, #tpu.memory_space<vmem_shared>>) dst(%arg7 : memref<48x128xi32, #tpu.memory_space<vmem>>)
    %add3A_263 = arith.constant 336 : i32
    %add3A_264 = arith.addi %mul3A_0, %add3A_263 : i32
    %dma_start3A_265 = tpu.memref_slice %arg4[%add3A_264, %add3A_135] : memref<6144x512xi32, #tpu.memory_space<hbm>> -> memref<48x128xi32, #tpu.memory_space<hbm>>
    %dma_start3A_266 = tpu.memref_slice %arg4[%add3A_264, %add3A_135] : memref<6144x512xi32, #tpu.memory_space<hbm>> -> memref<48x128xi32, #tpu.memory_space<hbm>>
    tpu.enqueue_dma source(%arg7 : memref<48x128xi32, #tpu.memory_space<vmem>>) target(%dma_start3A_266 : memref<48x128xi32, #tpu.memory_space<hbm>>) target_semaphore(%arg12 : memref<!tpu.dma_semaphore, #tpu.memory_space<semaphore_mem>>)
    %dma_wait3A_267 = tpu.memref_slice %arg4[%add3A_255, %add3A_135] : memref<6144x512xi32, #tpu.memory_space<hbm>> -> memref<48x128xi32, #tpu.memory_space<hbm>>
    %dma_wait3A_268 = tpu.memref_slice %arg4[%add3A_255, %add3A_135] : memref<6144x512xi32, #tpu.memory_space<hbm>> -> memref<48x128xi32, #tpu.memory_space<hbm>>
    tpu.wait_dma2 semaphore(%arg11 : memref<!tpu.dma_semaphore, #tpu.memory_space<semaphore_mem>>) src(%arg6 : memref<48x128xi32, #tpu.memory_space<vmem>>) dst(%dma_wait3A_268 : memref<48x128xi32, #tpu.memory_space<hbm>>)
    %dma_wait3A_269 = tpu.memref_slice %arg4[%add3A_264, %add3A_135] : memref<6144x512xi32, #tpu.memory_space<hbm>> -> memref<48x128xi32, #tpu.memory_space<hbm>>
    %dma_wait3A_270 = tpu.memref_slice %arg4[%add3A_264, %add3A_135] : memref<6144x512xi32, #tpu.memory_space<hbm>> -> memref<48x128xi32, #tpu.memory_space<hbm>>
    tpu.wait_dma2 semaphore(%arg12 : memref<!tpu.dma_semaphore, #tpu.memory_space<semaphore_mem>>) src(%arg7 : memref<48x128xi32, #tpu.memory_space<vmem>>) dst(%dma_wait3A_270 : memref<48x128xi32, #tpu.memory_space<hbm>>)
    return
  }
}

module attributes {stable_mosaic.version = 14 : i64} {
  func.func @_router_body(%arg0: memref<2048x1024xf32, #tpu.memory_space<vmem>>, %arg1: memref<1024x128xf32, #tpu.memory_space<vmem>>, %arg2: memref<2048x128xi32, #tpu.memory_space<vmem>>, %arg3: memref<2048x128xf32, #tpu.memory_space<vmem>>) attributes {dimension_semantics = [], scalar_prefetch = 0 : i64, scratch_operands = 0 : i64, tpu.core_type = #tpu.core_type<tc>} {
    %get3A = arith.constant 0 : index
    %get3A_0 = arith.constant 0 : index
    %get3A_1 = vector.load %arg0[%get3A, %get3A_0] : memref<2048x1024xf32, #tpu.memory_space<vmem>>, vector<2048x1024xf32>
    %get3A_2 = arith.constant 0 : index
    %get3A_3 = arith.constant 0 : index
    %get3A_4 = vector.load %arg1[%get3A_2, %get3A_3] : memref<1024x128xf32, #tpu.memory_space<vmem>>, vector<1024x128xf32>
    %dot_general3A = arith.constant dense<0.000000e+00> : vector<2048x128xf32>
    %dot_general3A_5 = tpu.matmul %get3A_1, %get3A_4, %dot_general3A {dimension_numbers = #tpu.dot_dimension_numbers<[1], [0], [0], [1], [0, 0, 1, 1], [], []>, transpose_lhs_hint = false} : vector<2048x1024xf32>, vector<1024x128xf32>, vector<2048x128xf32> -> vector<2048x128xf32>
    %iota3A = tpu.iota {dimensions = array<i32: 1>} : vector<2048x128xi32>
    %lt3A = arith.constant 8 : i32
    %lt3A_6 = vector.broadcast %lt3A : i32 to vector<2048x128xi32>
    %lt3A_7 = arith.cmpi slt, %iota3A, %lt3A_6 : vector<2048x128xi32>
    %jit3A = arith.constant -1.000000e+30 : f32
    %broadcast_in_dim3A = vector.broadcast %jit3A : f32 to vector<2048x128xf32>
    %select_n3A = arith.select %lt3A_7, %dot_general3A_5, %broadcast_in_dim3A : vector<2048x128xi1>, vector<2048x128xf32>
    %reduce_max3A = arith.constant dense<0xFF800000> : vector<2048xf32>
    %reduce_max3A_8 = vector.multi_reduction <maximumf>, %select_n3A, %reduce_max3A [1] : vector<2048x128xf32> to vector<2048xf32>
    %broadcast_in_dim3A_9 = vector.shape_cast %reduce_max3A_8 : vector<2048xf32> to vector<2048x1xf32>
    %sub3A = vector.broadcast %broadcast_in_dim3A_9 : vector<2048x1xf32> to vector<2048x128xf32>
    %sub3A_10 = arith.subf %select_n3A, %sub3A : vector<2048x128xf32>
    %exp3A = math.exp %sub3A_10 : vector<2048x128xf32>
    %reduce_sum3A = arith.constant dense<0.000000e+00> : vector<2048xf32>
    %reduce_sum3A_11 = vector.multi_reduction <add>, %exp3A, %reduce_sum3A [1] : vector<2048x128xf32> to vector<2048xf32>
    %broadcast_in_dim3A_12 = vector.shape_cast %reduce_sum3A_11 : vector<2048xf32> to vector<2048x1xf32>
    %div3A = vector.broadcast %broadcast_in_dim3A_12 : vector<2048x1xf32> to vector<2048x128xf32>
    %div3A_13 = arith.divf %exp3A, %div3A : vector<2048x128xf32>
    %jit3A_14 = arith.constant -1.000000e+00 : f32
    %broadcast_in_dim3A_15 = vector.broadcast %jit3A_14 : f32 to vector<2048x128xf32>
    %select_n3A_16 = arith.select %lt3A_7, %div3A_13, %broadcast_in_dim3A_15 : vector<2048x128xi1>, vector<2048x128xf32>
    %reduce_max3A_17 = arith.constant dense<0xFF800000> : vector<2048xf32>
    %reduce_max3A_18 = vector.multi_reduction <maximumf>, %select_n3A_16, %reduce_max3A_17 [1] : vector<2048x128xf32> to vector<2048xf32>
    %broadcast_in_dim3A_19 = vector.shape_cast %reduce_max3A_18 : vector<2048xf32> to vector<2048x1xf32>
    %eq3A = vector.broadcast %broadcast_in_dim3A_19 : vector<2048x1xf32> to vector<2048x128xf32>
    %eq3A_20 = arith.cmpf oeq, %select_n3A_16, %eq3A : vector<2048x128xf32>
    %jit3A_21 = arith.constant 128 : i32
    %broadcast_in_dim3A_22 = vector.broadcast %jit3A_21 : i32 to vector<2048x128xi32>
    %select_n3A_23 = arith.select %eq3A_20, %iota3A, %broadcast_in_dim3A_22 : vector<2048x128xi1>, vector<2048x128xi32>
    %reduce_min3A = arith.constant dense<2147483647> : vector<2048xi32>
    %reduce_min3A_24 = vector.multi_reduction <minsi>, %select_n3A_23, %reduce_min3A [1] : vector<2048x128xi32> to vector<2048xi32>
    %broadcast_in_dim3A_25 = vector.shape_cast %reduce_min3A_24 : vector<2048xi32> to vector<2048x1xi32>
    %eq3A_26 = vector.broadcast %broadcast_in_dim3A_25 : vector<2048x1xi32> to vector<2048x128xi32>
    %eq3A_27 = arith.cmpi eq, %iota3A, %eq3A_26 : vector<2048x128xi32>
    %jit3A_28 = arith.constant -1.000000e+00 : f32
    %broadcast_in_dim3A_29 = vector.broadcast %jit3A_28 : f32 to vector<2048x128xf32>
    %select_n3A_30 = arith.select %eq3A_27, %broadcast_in_dim3A_29, %select_n3A_16 : vector<2048x128xi1>, vector<2048x128xf32>
    %reduce_max3A_31 = arith.constant dense<0xFF800000> : vector<2048xf32>
    %reduce_max3A_32 = vector.multi_reduction <maximumf>, %select_n3A_30, %reduce_max3A_31 [1] : vector<2048x128xf32> to vector<2048xf32>
    %broadcast_in_dim3A_33 = vector.shape_cast %reduce_max3A_32 : vector<2048xf32> to vector<2048x1xf32>
    %eq3A_34 = vector.broadcast %broadcast_in_dim3A_33 : vector<2048x1xf32> to vector<2048x128xf32>
    %eq3A_35 = arith.cmpf oeq, %select_n3A_30, %eq3A_34 : vector<2048x128xf32>
    %jit3A_36 = arith.constant 128 : i32
    %broadcast_in_dim3A_37 = vector.broadcast %jit3A_36 : i32 to vector<2048x128xi32>
    %select_n3A_38 = arith.select %eq3A_35, %iota3A, %broadcast_in_dim3A_37 : vector<2048x128xi1>, vector<2048x128xi32>
    %reduce_min3A_39 = arith.constant dense<2147483647> : vector<2048xi32>
    %reduce_min3A_40 = vector.multi_reduction <minsi>, %select_n3A_38, %reduce_min3A_39 [1] : vector<2048x128xi32> to vector<2048xi32>
    %broadcast_in_dim3A_41 = vector.shape_cast %reduce_min3A_40 : vector<2048xi32> to vector<2048x1xi32>
    %add3A = arith.addf %broadcast_in_dim3A_19, %broadcast_in_dim3A_33 : vector<2048x1xf32>
    %add3A_42 = arith.constant 9.99999968E-21 : f32
    %add3A_43 = vector.broadcast %add3A_42 : f32 to vector<2048x1xf32>
    %add3A_44 = arith.addf %add3A, %add3A_43 : vector<2048x1xf32>
    %div3A_45 = arith.divf %broadcast_in_dim3A_19, %add3A_44 : vector<2048x1xf32>
    %div3A_46 = arith.divf %broadcast_in_dim3A_33, %add3A_44 : vector<2048x1xf32>
    %eq3A_47 = arith.constant 0 : i32
    %eq3A_48 = vector.broadcast %eq3A_47 : i32 to vector<2048x128xi32>
    %eq3A_49 = arith.cmpi eq, %iota3A, %eq3A_48 : vector<2048x128xi32>
    %eq3A_50 = arith.constant 1 : i32
    %eq3A_51 = vector.broadcast %eq3A_50 : i32 to vector<2048x128xi32>
    %eq3A_52 = arith.cmpi eq, %iota3A, %eq3A_51 : vector<2048x128xi32>
    %jit3A_53 = arith.constant 0 : i32
    %broadcast_in_dim3A_54 = vector.shape_cast %broadcast_in_dim3A_41 : vector<2048x1xi32> to vector<2048x1xi32>
    %broadcast_in_dim3A_55 = vector.broadcast %broadcast_in_dim3A_54 : vector<2048x1xi32> to vector<2048x128xi32>
    %broadcast_in_dim3A_56 = vector.broadcast %jit3A_53 : i32 to vector<2048x128xi32>
    %select_n3A_57 = arith.select %eq3A_52, %broadcast_in_dim3A_55, %broadcast_in_dim3A_56 : vector<2048x128xi1>, vector<2048x128xi32>
    %broadcast_in_dim3A_58 = vector.shape_cast %broadcast_in_dim3A_25 : vector<2048x1xi32> to vector<2048x1xi32>
    %broadcast_in_dim3A_59 = vector.broadcast %broadcast_in_dim3A_58 : vector<2048x1xi32> to vector<2048x128xi32>
    %select_n3A_60 = arith.select %eq3A_49, %broadcast_in_dim3A_59, %select_n3A_57 : vector<2048x128xi1>, vector<2048x128xi32>
    %swap3A = arith.constant 0 : index
    %swap3A_61 = arith.constant 0 : index
    %swap3A_62 = vector.load %arg2[%swap3A, %swap3A_61] : memref<2048x128xi32, #tpu.memory_space<vmem>>, vector<2048x128xi32>
    tpu.vector_store %arg2[%swap3A, %swap3A_61], %select_n3A_60 {strides = array<i32>} : memref<2048x128xi32, #tpu.memory_space<vmem>>, vector<2048x128xi32>,
    %eq3A_63 = arith.constant 0 : i32
    %eq3A_64 = vector.broadcast %eq3A_63 : i32 to vector<2048x128xi32>
    %eq3A_65 = arith.cmpi eq, %iota3A, %eq3A_64 : vector<2048x128xi32>
    %eq3A_66 = arith.constant 1 : i32
    %eq3A_67 = vector.broadcast %eq3A_66 : i32 to vector<2048x128xi32>
    %eq3A_68 = arith.cmpi eq, %iota3A, %eq3A_67 : vector<2048x128xi32>
    %jit3A_69 = arith.constant 0.000000e+00 : f32
    %broadcast_in_dim3A_70 = vector.shape_cast %div3A_46 : vector<2048x1xf32> to vector<2048x1xf32>
    %broadcast_in_dim3A_71 = vector.broadcast %broadcast_in_dim3A_70 : vector<2048x1xf32> to vector<2048x128xf32>
    %broadcast_in_dim3A_72 = vector.broadcast %jit3A_69 : f32 to vector<2048x128xf32>
    %select_n3A_73 = arith.select %eq3A_68, %broadcast_in_dim3A_71, %broadcast_in_dim3A_72 : vector<2048x128xi1>, vector<2048x128xf32>
    %broadcast_in_dim3A_74 = vector.shape_cast %div3A_45 : vector<2048x1xf32> to vector<2048x1xf32>
    %broadcast_in_dim3A_75 = vector.broadcast %broadcast_in_dim3A_74 : vector<2048x1xf32> to vector<2048x128xf32>
    %select_n3A_76 = arith.select %eq3A_65, %broadcast_in_dim3A_75, %select_n3A_73 : vector<2048x128xi1>, vector<2048x128xf32>
    %swap3A_77 = arith.constant 0 : index
    %swap3A_78 = arith.constant 0 : index
    %swap3A_79 = vector.load %arg3[%swap3A_77, %swap3A_78] : memref<2048x128xf32, #tpu.memory_space<vmem>>, vector<2048x128xf32>
    tpu.vector_store %arg3[%swap3A_77, %swap3A_78], %select_n3A_76 {strides = array<i32>} : memref<2048x128xf32, #tpu.memory_space<vmem>>, vector<2048x128xf32>,
    return
  }
}

module attributes {stable_mosaic.version = 14 : i64} {
  func.func @_expert_body(%arg0: i32, %arg1: memref<24xi32, #tpu.memory_space<smem>>, %arg2: memref<24xi32, #tpu.memory_space<smem>>, %arg3: memref<256x512xi32, #tpu.memory_space<vmem>>, %arg4: memref<1x1024x512xf32, #tpu.memory_space<vmem>>, %arg5: memref<1x1024x512xf32, #tpu.memory_space<vmem>>, %arg6: memref<1x512x1024xf32, #tpu.memory_space<vmem>>, %arg7: memref<1x1x256xf32, #tpu.memory_space<vmem>>, %arg8: memref<256x512xi32, #tpu.memory_space<vmem>>) attributes {dimension_semantics = [#tpu.dimension_semantics<arbitrary>], iteration_bounds = array<i64: 24>, scalar_prefetch = 2 : i64, scratch_operands = 0 : i64, tpu.core_type = #tpu.core_type<tc>, window_params = [{transform_indices = @transform_0, window_bounds = array<i64: 256, 512>}, {transform_indices = @transform_1, window_bounds = array<i64: 1, 1024, 512>}, {transform_indices = @transform_2, window_bounds = array<i64: 1, 1024, 512>}, {transform_indices = @transform_3, window_bounds = array<i64: 1, 512, 1024>}, {transform_indices = @transform_4, window_bounds = array<i64: 1, 1, 256>}, {transform_indices = @transform_5, window_bounds = array<i64: 256, 512>}]} {
    %get3A = arith.index_cast %arg0 : i32 to index
    %get3A_0 = memref.load %arg2[%get3A] : memref<24xi32, #tpu.memory_space<smem>>
    %eq3A = arith.constant 1 : i32
    %eq3A_1 = arith.cmpi eq, %get3A_0, %eq3A : i32
    %convert_element_type3A = arith.extui %eq3A_1 : i1 to i32
    %cond3A = arith.constant 0 : i32
    %cond3A_2 = arith.cmpi ne, %convert_element_type3A, %cond3A : i32
    scf.if %cond3A_2 {
      %get3A_3 = arith.constant 0 : index
      %get3A_4 = arith.constant 0 : index
      %get3A_5 = vector.load %arg3[%get3A_3, %get3A_4] : memref<256x512xi32, #tpu.memory_space<vmem>>, vector<256x512xi32>
      %and3A = arith.constant 65535 : i32
      %and3A_6 = vector.broadcast %and3A : i32 to vector<256x512xi32>
      %and3A_7 = arith.andi %get3A_5, %and3A_6 : vector<256x512xi32>
      %convert_element_type3A_8 = arith.trunci %and3A_7 : vector<256x512xi32> to vector<256x512xi16>
      %bitcast_convert_type3A = tpu.bitcast %convert_element_type3A_8 : vector<256x512xi16> -> vector<256x512xbf16>
      %shift_right_logical3A = arith.constant 16 : i32
      %shift_right_logical3A_9 = vector.broadcast %shift_right_logical3A : i32 to vector<256x512xi32>
      %shift_right_logical3A_10 = arith.shrui %get3A_5, %shift_right_logical3A_9 : vector<256x512xi32>
      %convert_element_type3A_11 = arith.trunci %shift_right_logical3A_10 : vector<256x512xi32> to vector<256x512xi16>
      %bitcast_convert_type3A_12 = tpu.bitcast %convert_element_type3A_11 : vector<256x512xi16> -> vector<256x512xbf16>
      %get3A_13 = arith.constant 0 : index
      %get3A_14 = arith.constant 0 : index
      %get3A_15 = arith.constant 0 : index
      %get3A_16 = vector.load %arg4[%get3A_13, %get3A_14, %get3A_15] : memref<1x1024x512xf32, #tpu.memory_space<vmem>>, vector<1x1024x512xf32>
      %get3A_17 = vector.shape_cast %get3A_16 : vector<1x1024x512xf32> to vector<1024x512xf32>
      %convert_element_type3A_18 = arith.truncf %get3A_17 : vector<1024x512xf32> to vector<1024x512xbf16>
      %get3A_19 = arith.constant 0 : index
      %get3A_20 = arith.constant 0 : index
      %get3A_21 = arith.constant 0 : index
      %get3A_22 = vector.load %arg5[%get3A_19, %get3A_20, %get3A_21] : memref<1x1024x512xf32, #tpu.memory_space<vmem>>, vector<1x1024x512xf32>
      %get3A_23 = vector.shape_cast %get3A_22 : vector<1x1024x512xf32> to vector<1024x512xf32>
      %convert_element_type3A_24 = arith.truncf %get3A_23 : vector<1024x512xf32> to vector<1024x512xbf16>
      %slice3A = vector.extract_strided_slice %convert_element_type3A_18 {offsets = [0, 0], sizes = [512, 512], strides = [1, 1]} : vector<1024x512xbf16> to vector<512x512xbf16>
      %dot_general3A = arith.constant dense<0.000000e+00> : vector<256x512xf32>
      %dot_general3A_25 = tpu.matmul %bitcast_convert_type3A, %slice3A, %dot_general3A {dimension_numbers = #tpu.dot_dimension_numbers<[1], [0], [0], [1], [0, 0, 1, 1], [], []>, transpose_lhs_hint = false} : vector<256x512xbf16>, vector<512x512xbf16>, vector<256x512xf32> -> vector<256x512xf32>
      %slice3A_26 = vector.extract_strided_slice %convert_element_type3A_18 {offsets = [512, 0], sizes = [512, 512], strides = [1, 1]} : vector<1024x512xbf16> to vector<512x512xbf16>
      %dot_general3A_27 = arith.constant dense<0.000000e+00> : vector<256x512xf32>
      %dot_general3A_28 = tpu.matmul %bitcast_convert_type3A_12, %slice3A_26, %dot_general3A_27 {dimension_numbers = #tpu.dot_dimension_numbers<[1], [0], [0], [1], [0, 0, 1, 1], [], []>, transpose_lhs_hint = false} : vector<256x512xbf16>, vector<512x512xbf16>, vector<256x512xf32> -> vector<256x512xf32>
      %add3A = arith.addf %dot_general3A_25, %dot_general3A_28 : vector<256x512xf32>
      %slice3A_29 = vector.extract_strided_slice %convert_element_type3A_24 {offsets = [0, 0], sizes = [512, 512], strides = [1, 1]} : vector<1024x512xbf16> to vector<512x512xbf16>
      %dot_general3A_30 = arith.constant dense<0.000000e+00> : vector<256x512xf32>
      %dot_general3A_31 = tpu.matmul %bitcast_convert_type3A, %slice3A_29, %dot_general3A_30 {dimension_numbers = #tpu.dot_dimension_numbers<[1], [0], [0], [1], [0, 0, 1, 1], [], []>, transpose_lhs_hint = false} : vector<256x512xbf16>, vector<512x512xbf16>, vector<256x512xf32> -> vector<256x512xf32>
      %slice3A_32 = vector.extract_strided_slice %convert_element_type3A_24 {offsets = [512, 0], sizes = [512, 512], strides = [1, 1]} : vector<1024x512xbf16> to vector<512x512xbf16>
      %dot_general3A_33 = arith.constant dense<0.000000e+00> : vector<256x512xf32>
      %dot_general3A_34 = tpu.matmul %bitcast_convert_type3A_12, %slice3A_32, %dot_general3A_33 {dimension_numbers = #tpu.dot_dimension_numbers<[1], [0], [0], [1], [0, 0, 1, 1], [], []>, transpose_lhs_hint = false} : vector<256x512xbf16>, vector<512x512xbf16>, vector<256x512xf32> -> vector<256x512xf32>
      %add3A_35 = arith.addf %dot_general3A_31, %dot_general3A_34 : vector<256x512xf32>
      %neg3A = arith.constant 0.000000e+00 : f32
      %neg3A_36 = vector.broadcast %neg3A : f32 to vector<256x512xf32>
      %neg3A_37 = arith.subf %neg3A_36, %add3A : vector<256x512xf32>
      %exp3A = math.exp %neg3A_37 : vector<256x512xf32>
      %add3A_38 = arith.constant 1.000000e+00 : f32
      %add3A_39 = vector.broadcast %add3A_38 : f32 to vector<256x512xf32>
      %add3A_40 = arith.addf %add3A_39, %exp3A : vector<256x512xf32>
      %div3A = arith.divf %add3A, %add3A_40 : vector<256x512xf32>
      %mul3A = arith.mulf %div3A, %add3A_35 : vector<256x512xf32>
      %convert_element_type3A_41 = arith.truncf %mul3A : vector<256x512xf32> to vector<256x512xbf16>
      %get3A_42 = arith.constant 0 : index
      %get3A_43 = arith.constant 0 : index
      %get3A_44 = arith.constant 0 : index
      %get3A_45 = vector.load %arg6[%get3A_42, %get3A_43, %get3A_44] : memref<1x512x1024xf32, #tpu.memory_space<vmem>>, vector<1x512x1024xf32>
      %get3A_46 = vector.shape_cast %get3A_45 : vector<1x512x1024xf32> to vector<512x1024xf32>
      %convert_element_type3A_47 = arith.truncf %get3A_46 : vector<512x1024xf32> to vector<512x1024xbf16>
      %dot_general3A_48 = arith.constant dense<0.000000e+00> : vector<256x1024xf32>
      %dot_general3A_49 = tpu.matmul %convert_element_type3A_41, %convert_element_type3A_47, %dot_general3A_48 {dimension_numbers = #tpu.dot_dimension_numbers<[1], [0], [0], [1], [0, 0, 1, 1], [], []>, transpose_lhs_hint = false} : vector<256x512xbf16>, vector<512x1024xbf16>, vector<256x1024xf32> -> vector<256x1024xf32>
      %get3A_50 = arith.constant 0 : index
      %get3A_51 = arith.constant 0 : index
      %get3A_52 = arith.constant 0 : index
      %get3A_53 = vector.load %arg7[%get3A_50, %get3A_51, %get3A_52] : memref<1x1x256xf32, #tpu.memory_space<vmem>>, vector<1x1x256xf32>
      %get3A_54 = vector.shape_cast %get3A_53 : vector<1x1x256xf32> to vector<256xf32>
      %broadcast_in_dim3A = vector.shape_cast %get3A_54 : vector<256xf32> to vector<256x1xf32>
      %mul3A_55 = vector.broadcast %broadcast_in_dim3A : vector<256x1xf32> to vector<256x1024xf32>
      %mul3A_56 = arith.mulf %dot_general3A_49, %mul3A_55 : vector<256x1024xf32>
      %convert_element_type3A_57 = arith.truncf %mul3A_56 : vector<256x1024xf32> to vector<256x1024xbf16>
      %slice3A_58 = vector.extract_strided_slice %convert_element_type3A_57 {offsets = [0, 0], sizes = [256, 512], strides = [1, 1]} : vector<256x1024xbf16> to vector<256x512xbf16>
      %bitcast_convert_type3A_59 = tpu.bitcast %slice3A_58 : vector<256x512xbf16> -> vector<256x512xi16>
      %slice3A_60 = vector.extract_strided_slice %convert_element_type3A_57 {offsets = [0, 512], sizes = [256, 512], strides = [1, 1]} : vector<256x1024xbf16> to vector<256x512xbf16>
      %bitcast_convert_type3A_61 = tpu.bitcast %slice3A_60 : vector<256x512xbf16> -> vector<256x512xi16>
      %convert_element_type3A_62 = arith.extui %bitcast_convert_type3A_59 : vector<256x512xi16> to vector<256x512xi32>
      %convert_element_type3A_63 = arith.extui %bitcast_convert_type3A_61 : vector<256x512xi16> to vector<256x512xi32>
      %shift_left3A = arith.constant 16 : i32
      %shift_left3A_64 = vector.broadcast %shift_left3A : i32 to vector<256x512xi32>
      %shift_left3A_65 = arith.shli %convert_element_type3A_63, %shift_left3A_64 : vector<256x512xi32>
      %or3A = arith.ori %convert_element_type3A_62, %shift_left3A_65 : vector<256x512xi32>
      %bitcast_convert_type3A_66 = tpu.bitcast %or3A : vector<256x512xi32> -> vector<256x512xi32>
      %swap3A = arith.constant 0 : index
      %swap3A_67 = arith.constant 0 : index
      %swap3A_68 = vector.load %arg8[%swap3A, %swap3A_67] : memref<256x512xi32, #tpu.memory_space<vmem>>, vector<256x512xi32>
      tpu.vector_store %arg8[%swap3A, %swap3A_67], %bitcast_convert_type3A_66 {strides = array<i32>} : memref<256x512xi32, #tpu.memory_space<vmem>>, vector<256x512xi32>,
    } else {
    }
    return
  }
  func.func @transform_0(%arg0: i32, %arg1: memref<24xi32, #tpu.memory_space<smem>>, %arg2: memref<24xi32, #tpu.memory_space<smem>>) -> (i32, i32) {
    %c0_i32 = arith.constant 0 : i32
    %c0_i32_0 = arith.constant 0 : i32
    return %arg0, %c0_i32 : i32, i32
  }
  func.func @transform_1(%arg0: i32, %arg1: memref<24xi32, #tpu.memory_space<smem>>, %arg2: memref<24xi32, #tpu.memory_space<smem>>) -> (i32, i32, i32) {
    %get3A = arith.index_cast %arg0 : i32 to index
    %get3A_0 = memref.load %arg1[%get3A] : memref<24xi32, #tpu.memory_space<smem>>
    %c0_i32 = arith.constant 0 : i32
    %c0_i32_1 = arith.constant 0 : i32
    %c0_i32_2 = arith.constant 0 : i32
    return %get3A_0, %c0_i32, %c0_i32_1 : i32, i32, i32
  }
  func.func @transform_2(%arg0: i32, %arg1: memref<24xi32, #tpu.memory_space<smem>>, %arg2: memref<24xi32, #tpu.memory_space<smem>>) -> (i32, i32, i32) {
    %get3A = arith.index_cast %arg0 : i32 to index
    %get3A_0 = memref.load %arg1[%get3A] : memref<24xi32, #tpu.memory_space<smem>>
    %c0_i32 = arith.constant 0 : i32
    %c0_i32_1 = arith.constant 0 : i32
    %c0_i32_2 = arith.constant 0 : i32
    return %get3A_0, %c0_i32, %c0_i32_1 : i32, i32, i32
  }
  func.func @transform_3(%arg0: i32, %arg1: memref<24xi32, #tpu.memory_space<smem>>, %arg2: memref<24xi32, #tpu.memory_space<smem>>) -> (i32, i32, i32) {
    %get3A = arith.index_cast %arg0 : i32 to index
    %get3A_0 = memref.load %arg1[%get3A] : memref<24xi32, #tpu.memory_space<smem>>
    %c0_i32 = arith.constant 0 : i32
    %c0_i32_1 = arith.constant 0 : i32
    %c0_i32_2 = arith.constant 0 : i32
    return %get3A_0, %c0_i32, %c0_i32_1 : i32, i32, i32
  }
  func.func @transform_4(%arg0: i32, %arg1: memref<24xi32, #tpu.memory_space<smem>>, %arg2: memref<24xi32, #tpu.memory_space<smem>>) -> (i32, i32, i32) {
    %c0_i32 = arith.constant 0 : i32
    %c0_i32_0 = arith.constant 0 : i32
    %c0_i32_1 = arith.constant 0 : i32
    return %arg0, %c0_i32, %c0_i32_0 : i32, i32, i32
  }
  func.func @transform_5(%arg0: i32, %arg1: memref<24xi32, #tpu.memory_space<smem>>, %arg2: memref<24xi32, #tpu.memory_space<smem>>) -> (i32, i32) {
    %c0_i32 = arith.constant 0 : i32
    %c0_i32_0 = arith.constant 0 : i32
    return %arg0, %c0_i32 : i32, i32
  }
}

module attributes {stable_mosaic.version = 14 : i64} {
  func.func @_combine_body(%arg0: i32, %arg1: memref<256x1024xi32, #tpu.memory_space<vmem>>, %arg2: memref<256x1024xf32, #tpu.memory_space<vmem>>) attributes {dimension_semantics = [#tpu.dimension_semantics<arbitrary>], iteration_bounds = array<i64: 8>, scalar_prefetch = 0 : i64, scratch_operands = 0 : i64, tpu.core_type = #tpu.core_type<tc>, window_params = [{transform_indices = @transform_0, window_bounds = array<i64: 256, 1024>}, {transform_indices = @transform_1, window_bounds = array<i64: 256, 1024>}]} {
    %get3A = arith.constant 0 : index
    %get3A_0 = arith.constant 0 : index
    %get3A_1 = vector.load %arg1[%get3A, %get3A_0] : memref<256x1024xi32, #tpu.memory_space<vmem>>, vector<256x1024xi32>
    %slice3A = vector.extract_strided_slice %get3A_1 {offsets = [0, 0], sizes = [256, 512], strides = [1, 1]} : vector<256x1024xi32> to vector<256x512xi32>
    %and3A = arith.constant 65535 : i32
    %and3A_2 = vector.broadcast %and3A : i32 to vector<256x512xi32>
    %and3A_3 = arith.andi %slice3A, %and3A_2 : vector<256x512xi32>
    %convert_element_type3A = arith.trunci %and3A_3 : vector<256x512xi32> to vector<256x512xi16>
    %bitcast_convert_type3A = tpu.bitcast %convert_element_type3A : vector<256x512xi16> -> vector<256x512xbf16>
    %shift_right_logical3A = arith.constant 16 : i32
    %shift_right_logical3A_4 = vector.broadcast %shift_right_logical3A : i32 to vector<256x512xi32>
    %shift_right_logical3A_5 = arith.shrui %slice3A, %shift_right_logical3A_4 : vector<256x512xi32>
    %convert_element_type3A_6 = arith.trunci %shift_right_logical3A_5 : vector<256x512xi32> to vector<256x512xi16>
    %bitcast_convert_type3A_7 = tpu.bitcast %convert_element_type3A_6 : vector<256x512xi16> -> vector<256x512xbf16>
    %slice3A_8 = vector.extract_strided_slice %get3A_1 {offsets = [0, 512], sizes = [256, 512], strides = [1, 1]} : vector<256x1024xi32> to vector<256x512xi32>
    %and3A_9 = arith.constant 65535 : i32
    %and3A_10 = vector.broadcast %and3A_9 : i32 to vector<256x512xi32>
    %and3A_11 = arith.andi %slice3A_8, %and3A_10 : vector<256x512xi32>
    %convert_element_type3A_12 = arith.trunci %and3A_11 : vector<256x512xi32> to vector<256x512xi16>
    %bitcast_convert_type3A_13 = tpu.bitcast %convert_element_type3A_12 : vector<256x512xi16> -> vector<256x512xbf16>
    %shift_right_logical3A_14 = arith.constant 16 : i32
    %shift_right_logical3A_15 = vector.broadcast %shift_right_logical3A_14 : i32 to vector<256x512xi32>
    %shift_right_logical3A_16 = arith.shrui %slice3A_8, %shift_right_logical3A_15 : vector<256x512xi32>
    %convert_element_type3A_17 = arith.trunci %shift_right_logical3A_16 : vector<256x512xi32> to vector<256x512xi16>
    %bitcast_convert_type3A_18 = tpu.bitcast %convert_element_type3A_17 : vector<256x512xi16> -> vector<256x512xbf16>
    %convert_element_type3A_19 = arith.extf %bitcast_convert_type3A : vector<256x512xbf16> to vector<256x512xf32>
    %convert_element_type3A_20 = arith.extf %bitcast_convert_type3A_13 : vector<256x512xbf16> to vector<256x512xf32>
    %add3A = arith.addf %convert_element_type3A_19, %convert_element_type3A_20 : vector<256x512xf32>
    %convert_element_type3A_21 = arith.extf %bitcast_convert_type3A_7 : vector<256x512xbf16> to vector<256x512xf32>
    %convert_element_type3A_22 = arith.extf %bitcast_convert_type3A_18 : vector<256x512xbf16> to vector<256x512xf32>
    %add3A_23 = arith.addf %convert_element_type3A_21, %convert_element_type3A_22 : vector<256x512xf32>
    %concatenate3A = tpu.concatenate %add3A, %add3A_23 in 1 : vector<256x512xf32>, vector<256x512xf32> -> vector<256x1024xf32>
    %swap3A = arith.constant 0 : index
    %swap3A_24 = arith.constant 0 : index
    %swap3A_25 = vector.load %arg2[%swap3A, %swap3A_24] : memref<256x1024xf32, #tpu.memory_space<vmem>>, vector<256x1024xf32>
    tpu.vector_store %arg2[%swap3A, %swap3A_24], %concatenate3A {strides = array<i32>} : memref<256x1024xf32, #tpu.memory_space<vmem>>, vector<256x1024xf32>,
    return
  }
  func.func @transform_0(%arg0: i32) -> (i32, i32) {
    %c0_i32 = arith.constant 0 : i32
    %c0_i32_0 = arith.constant 0 : i32
    return %arg0, %c0_i32 : i32, i32
  }
  func.func @transform_1(%arg0: i32) -> (i32, i32) {
    %c0_i32 = arith.constant 0 : i32
    %c0_i32_0 = arith.constant 0 : i32
    return %arg0, %c0_i32 : i32, i32
  }
}

</mosaic_0001>

<sc_bundles>
// kernel: gather_offload_async_start
scs
__scs_entry_jumppad:
0x0: {  	(pc) =	sbr.rel $0x88, $3  }
0x1: {  	(tag) =	ssettag $0x0;
	lr =	simm.s32 $0x1  }
0x2: {  	[smem:$0x3F9C] =	sst lr;
	_ =	strace $0xD0000000  }
0x3: {  	_ = 	snop  }
0x4: {  	_ = 	snop  }
0x5: {  	_ = 	snop  }
0x6: {  	_ = 	snop  }
0x7: {  	_ = 	snop  }
__scs_overlays_trampoline_lowered:
0x8: {  	[smem:$0x3FAB] =	sst s0  }
0x9: {  	[smem:$0x3FAC] =	sst s1  }
0xa: {  	[smem:$0x3FAD] =	sst s2  }
0xb: {  	[smem:$0x3FAE] =	sst s3  }
0xc: {  	[smem:$0x3FAF] =	sst s4  }
0xd: {  	[smem:$0x3FB0] =	sst s5  }
0xe: {  	[smem:$0x3FB1] =	sst s6  }
0xf: {  	[smem:$0x3FB2] =	sst s7  }
0x10: {  	[smem:$0x3FB3] =	sst s8  }
0x11: {  	[smem:$0x3FB4] =	sst s9;
	s0 =	simm.s32 @!p0 $0x0  }
0x12: {  	s1 =	sld [smem:$0x3F9A];
	s0 =	simm.s32 @p0 $0x1  }
0x13: {  	[smem:$0x3FB5] =	sst s0;
	s0 =	simm.s32 @!p1 $0x0  }
0x14: {  	s2 =	sld [smem:$0x3F99];
	s0 =	simm.s32 @p1 $0x1  }
0x15: {  	[smem:$0x3FB6] =	sst s0;
	s0 =	simm.s32 @!p2 $0x0  }
0x16: {  	s3 =	sld [smem:$0x3FDB];
	s0 =	simm.s32 @p2 $0x1  }
0x17: {  	s4 =	simm.s32 $0x1BF5;
	[smem:$0x3FB8] =	sst s0  }
0x18: {  	s0 =	sld [smem:$0x3F9B];
	_ =	swait.ge [sflag:s4], $0x0  }
0x19: {  	s7 =	sld [smem:$0x3F9C]  }
0x1a: {  	s8 =	sadd.s32 $0xFFFFE003, lr  }
0x1b: {  	s9 =	sadd.s32 $0xFFFFFEF7, lr;
	s5 =	simm.s32 $0xFFFFFFFF;
	p2 =	slt.u32 s8, $0xFFFFF086  }
0x1c: {  	p1 =	slt.u32 s9, $0xF7A;
	s5 =	simm.s32 @!p2 $0x0  }
0x1d: {  	s5 =	simm.s32 @p1 $0x1;
	p0 =	seq.s32 s7, s2  }
0x1e: {  	s7 =	smul.u32 @!p0 $0xF7A, s2;
	p2 =	seq.s32 @!p0 s5, $0x0  }
0x1f: {  	s9 =	smul.u32 $0xF7A, s1;
	s8 =	simm.s32 @!p0 $0x1BF5;
	p2 =	por !p2, p0  }
0x20: {  	[sflag:s8] =	ssyncset.s32 @!p0 $0xFFFFF086;
	s6 =	sadd.s32 @!p0 s3, s7;
	s7 =	simm.s32 @!p0 $0x108  }
0x21: {  	s3 =	sadd.s32 s3, s9;
	s6 =	sadd.s32 @!p0 $0x88, s6;
	s7 =	simm.s32 @p2 $0x1082  }
0x22: {  	[simem:s7], [sflag:s8] =	dma.local @!p0 [hbm:s6], $0xF7A  }
0x23: {  	s9 =	sor.u32 $0xD0000000, s2;
	s6 =	simm.s32 $0x108;
	_ =	swait.ge @!p0 [sflag:s8], $0x0  }
0x24: {  	s3 =	sadd.s32 $0x88, s3;
	s6 =	simm.s32 @!p1 $0x1082;
	[sflag:s4] =	ssyncset.s32 $0xFFFFF086  }
0x25: {  	[simem:s6], [sflag:s4] =	dma.local [hbm:s3], $0xF7A  }
0x26: {  	[smem:$0x3F9C] =	sst s1;
	(tag) =	ssettag s2;
	_ =	strace s9  }
0x27: {  	s1 =	sld [smem:$0x3FAC]  }
0x28: {  	s2 =	sld [smem:$0x3FAD]  }
0x29: {  	s4 =	sld [smem:$0x3FAF]  }
0x2a: {  	p0 =	seq.s32 s5, $0x0;
	s5 =	sld [smem:$0x3FB0]  }
0x2b: {  	s6 =	sld [smem:$0x3FB1]  }
0x2c: {  	s7 =	sld [smem:$0x3FB2]  }
0x2d: {  	s3 =	simm.s32 $0x108;
	s8 =	sld [smem:$0x3FB3]  }
0x2e: {  	s3 =	simm.s32 @!p0 $0x1082;
	s9 =	sld [smem:$0x3FB4]  }
0x2f: {  	lr =	sadd.s32 s0, s3;
	s0 =	sld [smem:$0x3FAB]  }
0x30: {  	s3 =	sld [smem:$0x3FAE]  }
0x31: {  	[smem:$0x3FB7] =	sst s10  }
0x32: {  	s10 =	sld [smem:$0x3FB5];
	_ =	sdelay $0x3  }
0x33: {  	p0 =	seq.s32 s10, $0x1;
	s10 =	sld [smem:$0x3FB7];
	_ =	sdelay $0x3  }
0x34: {  	[smem:$0x3FB7] =	sst s10  }
0x35: {  	s10 =	sld [smem:$0x3FB6];
	_ =	sdelay $0x3  }
0x36: {  	p1 =	seq.s32 s10, $0x1;
	s10 =	sld [smem:$0x3FB7];
	_ =	sdelay $0x3  }
0x37: {  	[smem:$0x3FB7] =	sst s10  }
0x38: {  	s10 =	sld [smem:$0x3FB8]  }
0x39: {  	_ = 	snop;
	(pc) =	sbr.ind lr, $3  }
0x3a: {  	_ = 	snop  }
0x3b: {  	_ = 	snop  }
0x3c: {  	p2 =	seq.s32 s10, $0x1;
	s10 =	sld [smem:$0x3FB7]  }
0x3d: {  	_ =	shalt  }
0x3e: {  	_ =	shalt  }
0x3f: {  	_ =	shalt  }
0x40: {  	_ =	shalt  }
0x41: {  	_ =	shalt  }
0x42: {  	_ =	shalt  }
0x43: {  	_ =	shalt  }
0x44: {  	_ =	shalt  }
0x45: {  	_ =	shalt  }
0x46: {  	_ =	shalt  }
0x47: {  	_ =	shalt  }
0x48: {  	_ =	shalt  }
0x49: {  	_ =	shalt  }
0x4a: {  	_ =	shalt  }
0x4b: {  	_ =	shalt  }
0x4c: {  	_ =	shalt  }
0x4d: {  	_ =	shalt  }
0x4e: {  	_ =	shalt  }
0x4f: {  	_ =	shalt  }
0x50: {  	_ =	shalt  }
0x51: {  	_ =	shalt  }
0x52: {  	_ =	shalt  }
0x53: {  	_ =	shalt  }
0x54: {  	_ =	shalt  }
0x55: {  	_ =	shalt  }
0x56: {  	_ =	shalt  }
0x57: {  	_ =	shalt  }
0x58: {  	_ =	shalt  }
0x59: {  	_ =	shalt  }
0x5a: {  	_ =	shalt  }
0x5b: {  	_ =	shalt  }
0x5c: {  	_ =	shalt  }
0x5d: {  	_ =	shalt  }
0x5e: {  	_ =	shalt  }
0x5f: {  	_ =	shalt  }
0x60: {  	_ =	shalt  }
0x61: {  	_ =	shalt  }
0x62: {  	_ =	shalt  }
0x63: {  	_ =	shalt  }
0x64: {  	_ =	shalt  }
0x65: {  	_ =	shalt  }
0x66: {  	_ =	shalt  }
0x67: {  	_ =	shalt  }
0x68: {  	_ =	shalt  }
0x69: {  	_ =	shalt  }
0x6a: {  	_ =	shalt  }
0x6b: {  	_ =	shalt  }
0x6c: {  	_ =	shalt  }
0x6d: {  	_ =	shalt  }
0x6e: {  	_ =	shalt  }
0x6f: {  	_ =	shalt  }
0x70: {  	_ =	shalt  }
0x71: {  	_ =	shalt  }
0x72: {  	_ =	shalt  }
0x73: {  	_ =	shalt  }
0x74: {  	_ =	shalt  }
0x75: {  	_ =	shalt  }
0x76: {  	_ =	shalt  }
0x77: {  	_ =	shalt  }
0x78: {  	_ =	shalt  }
0x79: {  	_ =	shalt  }
0x7a: {  	_ =	shalt  }
0x7b: {  	_ =	shalt  }
0x7c: {  	_ =	shalt  }
0x7d: {  	_ =	shalt  }
0x7e: {  	_ =	shalt  }
0x7f: {  	_ =	shalt  }
0x80: {  	_ =	shalt  }
0x81: {  	_ =	shalt  }
0x82: {  	_ =	shalt  }
0x83: {  	_ =	shalt  }
0x84: {  	_ =	shalt  }
0x85: {  	_ =	shalt  }
0x86: {  	_ =	shalt  }
0x87: {  	_ =	shalt  }
.Lfunc_end0:
.L_simem_size_0:
called_computation_lowered:
.L_overlay_start_0:
0x88: {  	s2 =	sld [smem:$0x3FD9]  }
0x89: {  	s3 =	sld [smem:$0x3FFE];
	_ =	sdelay $0x1  }
0x8a: {  	s1 =	srdreg.scid  }
0x8b: {  	s0 =	sand.u32 $0x1, s1  }
0x8c: {  	s16 =	sshll.u32 s0, $0xA;
	s2 =	sadd.s32 s3, s2  }
0x8d: {  	s2 =	sadd.s32 s2, s16  }
0x8e: {  	[smem:$0x3FC3] =	sst s2  }
0x8f: {  	_ = 	snop  }
0x90: {  	(tm) =	ssettm $0x1  }
0x91: {  	s17 =	sld [smem:$0x3FFB];
	_ =	sdelay $0x3  }
0x92: {  	_ =	strace s17  }
0x93: {  	s2 =	sld [smem:$0x3FFC];
	_ =	sdelay $0x3  }
0x94: {  	_ =	strace s2  }
0x95: {  	s2 =	sld [smem:$0x3FFD];
	_ =	sdelay $0x3  }
0x96: {  	_ =	strace s2  }
0x97: {  	_ =	strace $0x8FFFFFFF  }
0x98: {  	s18 =	sld [smem:$0x3FDB];
	_ =	sdelay $0x1  }
0x99: {  	s19 =	simm.s32 $_scs_section_size  }
0x9a: {  	s4 =	simm.s32 $_size__tile_overlayer_lowered;
	s5 =	simm.s32 $_tile_overlayer_lowered  }
0x9b: {  	s22 =	simm.s32 $0x1BFF;
	s21 =	sshll.u32 s5, $0x1;
	s2 =	sadd.s32 s19, s18  }
0x9c: {  	s6 =	simm.s32 $0x0;
	s20 =	sshll.u32 s4, $0x1;
	s4 =	sadd.s32 s21, s2  }
0x9d: {  	[timem:s6], [sflag:s22] =	dma.local [hbm:s4], s20  }
0x9e: {  	_ =	swait.ge [sflag:s22], s20  }
0x9f: {  	s3 =	ssub.s32 $0x0, s20;
	[sflag:s22] =	ssyncset.done $0x0  }
0xa0: {  	[sflag:s22] =	ssyncadd.s32 s3;
	_ =	sdelay $0x1  }
0xa1: {  	s23 =	simm.s32 $0x1B8B  }
0xa2: {  	_ =	swait.ge [sflag:s23], $0x1  }
0xa3: {  	[sflag:s23] =	ssyncset.done $0x0  }
0xa4: {  	s25 =	simm.s32 $0x1B8E;
	s24 =	sld [smem:$0x3FFE];
	[sflag:s23] =	ssyncadd.s32 $0xFFFFFFFF  }
0xa5: {  	s26 =	simm.s32 $execute0_lowered;
	[smem:$0x3FD2] =	sst s25  }
0xa6: {  	s4 =	sshll.u32 s26, $0x1;
	_ =	strace $0x80000046;
	[dreg:$0x1] =	wrdreg $0xFFFFFFFF  }
0xa7: {  	s28 =	simm.s32 $_size_execute0_lowered;
	s2 =	sadd.s32 s2, s4;
	[dreg:$0x0] =	wrdreg $0x0  }
0xa8: {  	s4 =	sshll.u32 s28, $0x1;
	[dreg:$0x2] =	wrdreg s2  }
0xa9: {  	[dreg:$0x3] =	wrdreg s4  }
0xaa: {  	[dreg:$0x4] =	wrdreg $0xC0  }
0xab: {  	_ =	task [dreg:s6], $0x5FFFF  }
0xac: {  	[dreg:$0x1] =	wrdreg $0xFFFFFFFF  }
0xad: {  	[dreg:$0x0] =	wrdreg $0x60  }
0xae: {  	[dreg:$0x2] =	wrdreg s24  }
0xaf: {  	[dreg:$0x3] =	wrdreg $0x9  }
0xb0: {  	_ =	task.clear_ibuf [dreg:s6], $0x4FFFF;
	_ =	strace $0x90000046  }
0xb1: {  	s29 =	simm.s32 $0x9;
	_ =	strace $0x80000048  }
0xb2: {  	_ =	swait.ge [sflag:s29], $0x1  }
0xb3: {  	[sflag:s29] =	ssyncadd.s32 $0xFFFFFFFF  }
0xb4: {  	_ =	strace $0x90000048  }
0xb5: {  	_ =	sfence  }
0xb6: {  	s30 =	sld [smem:$0x0];
	_ =	sdelay $0x2  }
0xb7: {  	s31 =	sshll.u32 s1, $0xD;
	s1 =	sshrl.u32 s1, $0x2  }
0xb8: {  	s3 =	sand.u32 $0x4000, s31;
	s1 =	sadd.s32 s1, s30  }
0xb9: {  	s0 =	sor.u32 s3, s0;
	s1 =	sshll.u32 s1, $0x11  }
0xba: {  	s0 =	sor.u32 s1, s0  }
0xbb: {  	s0 =	sadd.s32 $0x8F2B, s0  }
0xbc: {  	[sflag:s0] =	ssyncadd.remote.s32 $0x1  }
0xbd: {  	_ =	sfence.sel $0xFFFF  }
0xbe: {  	[dreg:$0x0] =	wrdreg $0xFFFFFFFF;
	(pc) =	sbr.abs _section_cstart, $3  }
0xbf: {  	[dreg:$0x1] =	wrdreg $0xFFFFFFFF  }
0xc0: {  	_ =	task.clear_ibuf [dreg:s6], $0x2FFFF;
	_ =	strace $0x9FFFFFFF  }
0xc1: {  	(tm) =	ssettm $0x7FFFFFFF  }
tec
execute0_lowered:
.L_overlay_start_1:
0x0: {  	(tag) =	ssettag $0x1  }
0x1: {  	s1 =	srdreg.scid  }
0x2: {  	s0 =	stileid.u32;
	s2 =	rddreg [dreg:$0x0];
	s6 =	simm.s32 $0x1  }
0x3: {  	s9 =	simm.s32 $0x1;
	s10 =	simm.s32 $0x3;
	s1 =	sshll.u32 s1, $0x6  }
0x4: {  	s13 =	simm.s32 $0x0;
	s3 =	sshll.u32 s0, $0x7;
	s4 =	sand.u32 $0x40, s1  }
0x5: {  	s12 =	simm.s32 $0x0;
	s5 =	sadd.s32 $0x10E00, s2;
	s3 =	sor.u32 s3, s4  }
0x6: {  	s1 =	rddreg [dreg:$0x1];
	_ =	strace $0x80000047;
	s8 =	ssub.s32 $0x1000, s3  }
.Ltmp0:
0x7: {  	s4 =	sadd.s32 $0x200, s2;
	s7 =	sand.u32 $0x7C0, s8;
	(pc) =	sbr.rel .LBB2_1-.Ltmp0, $4  }
0x8: {  	[sflag:s6] =	ssyncpa.u1 $0x0;
	s11 =	smov.u32 s3;
	p0 =	sne.s32 s7, $0x0  }
0x9: {  	s8 =	sshrl.u32 s8, $0xB;
	s7 =	simm.s32 $0x2;
	s9 =	simm.s32 @!p0 $0x0  }
0xa: {  	[sflag:s7] =	ssyncpa.u1 $0x0;
	p0 =	por $0x0, $0x0;
	s8 =	sadd.s32 s9, s8  }
0xb: {  	vm0 =	vmmov $0xffff;
	[sflag:s10] =	ssyncpa.u1 $0x0;
	s10 =	simm.s32 $0x0;
	s9 =	sadd.s32 $0x1, s8  }
.LBB2_4:
0xc: {  	v5 =	vshrl.u32 v1, $0xC;
	v6 =	vshll.u32 v1, $0x7  }
0xd: {  	vm1 =	veq.s32 v1, $0x80000000;
	v58 =	vand.u32 $0x7, v5;
	v59 =	vand.u32 $0x7FF80, v6  }
0xe: {  	v1 =	vsel vm1, $0xFFFFFFFF, v58;
	v5 =	vsel vm1, $0xFFFFFF80, v59  }
0xf: {  	v3 =	vor.u32 v4, v3;
	v60 =	vand.u32 $0xFFFFFC00, v5;
	v61 =	vand.u32 $0xFFFFFC00, v1  }
0x10: {  	v2 =	vor.u32 v2, v3;
	v63 =	vand.u32 $0x380, v5;
	v62 =	vadd.s32 v61, v60  }
0x11: {  	v1 =	vand.u32 $0x7F, v1;
	v3 =	vor.u32 v63, v62  }
0x12: {  	v1 =	vor.u32 v1, v3  }
0x13: {  	[tilespmem:s15], [sflag:$0x1] =	stream.indirect_vreg.gather [hbm4b:s4+s10], $0x1, v0, vm0, $0x4038;
	[tilespmem:$0x100] =	vst v63  }
0x14: {  	(ifvalue) =	ssetifvalue $0x7FFFFFFF  }
0x15: {  	[tilespmem:s16], [sflag:$0x1] =	stream.indirect_vreg.gather [hbm4b:s4+s10], $0x1, v2, vm0, $0x4038;
	[tilespmem:$0x100] =	vst v63  }
0x16: {  	s29 =	sadd.s32 $0x10, s16;
	(ifvalue) =	ssetifvalue $0x7FFFFFFF  }
0x17: {  	[tilespmem:s29], [sflag:$0x1] =	stream.indirect_vreg.gather [hbm4b:s4+s10], $0x1, v1, vm0, $0x4038;
	[tilespmem:$0x100] =	vst v63  }
0x18: {  	_ =	swait.ge [sflag:s6], $0x40  }
0x19: {  	s30 =	sshrl.u32 s13, $0x3;
	[sflag:s6] =	ssyncset.done $0x0  }
0x1a: {  	s31 =	sand.u32 $0x7, s13;
	s15 =	sadd.s32 s5, s30;
	[sflag:s6] =	ssyncadd.s32 $0xFFFFFFC0  }
0x1b: {  	[hbm4b:s15+s31] =	stream.linear.scatter [tilespmem:s14], [sflag:$0x3], $0x40, $0x38;
	[tilespmem:$0x100] =	vst v63  }
.LBB2_5:
0x1c: {  	s15 =	sadd.s32 $0x800, s11  }
0x1d: {  	p2 =	sgt.s32 s15, $0xFFF  }
0x1e: {  	s15 =	smov.u32 @p2 s3;
	p2 =	sne.s32 s12, s9  }
.Ltmp1:
0x1f: {  	p1 =	slt.u32 s12, $0x2;
	(pc) =	sbr.rel @!p2 .LBB2_6-.Ltmp1, $4  }
0x20: {  	s14 =	simm.s32 @!p1 $0x3  }
0x21: {  	s16 =	sadd.s32 $0x1, s12;
	_ =	swait.ge @!p1 [sflag:s14], $0x40  }
0x22: {  	s13 =	smov.u32 s11;
	p0 =	por !p0, !p0;
	[sflag:s14] =	ssyncset.done @!p1 $0x0  }
0x23: {  	s12 =	smov.u32 s16;
	s11 =	smov.u32 s15;
	[sflag:s14] =	ssyncadd.s32 @!p1 $0xFFFFFFC0  }
.LBB2_1:
0x24: {  	p1 =	sge.u32 s12, s8  }
0x25: {  	s14 =	sxor.u32 @!p1 $0xFFFFFFFF, s12  }
0x26: {  	s31 =	sadd.s32 $0xFFFFFFFF, s12;
	s15 =	sshrl.u32 @!p1 s11, $0x3;
	s14 =	sshll.u32 @!p1 s14, $0x6  }
0x27: {  	s16 =	sand.u32 @!p1 $0x7, s11;
	s15 =	sadd.s32 @!p1 s2, s15;
	s14 =	sand.u32 @!p1 $0x40, s14  }
0x28: {  	[tilespmem:s14], [sflag:$0x2] =	stream.linear.gather @!p1 [hbm4b:s15+s16], $0x40, $0x38;
	[tilespmem:$0x100] =	vst v63  }
0x29: {  	p1 =	sge.u32 s31, s8  }
.Ltmp2:
0x2a: {  	_ = 	snop;
	(pc) =	sbr.rel @p1 .LBB2_5-.Ltmp2, $1  }
0x2b: {  	_ =	sdelay $0x3  }
0x2c: {  	s14 =	simm.s32 $0x1  }
0x2d: {  	_ =	swait.ge [sflag:s7], $0x40;
	s14 =	simm.s32 @!p0 $0x0  }
0x2e: {  	[sflag:s7] =	ssyncset.done $0x0;
	s14 =	sshll.u32 s14, $0x6  }
0x2f: {  	[sflag:s7] =	ssyncadd.s32 $0xFFFFFFC0;
	(ifvalue) =	ssetifvalue $0x7FFFFFFF;
	v0 =	vld.msk [tilespmem:s14+$0x0 ss:$0x1], $0xffff;
	_ =	sdelay $0x4  }
0x30: {  	s15 =	sadd.s32 $0x10, s14;
	v2 =	vshrl.u32 v0, $0xC;
	v3 =	vshll.u32 v0, $0x7  }
0x31: {  	v1 =	vld.msk [tilespmem:s15+$0x0 ss:$0x1], $0xffff;
	vm1 =	veq.s32 v0, $0x80000000;
	v0 =	vand.u32 $0x7, v2;
	v2 =	vand.u32 $0x7FF80, v3  }
0x32: {  	v0 =	vsel vm1, $0xFFFFFFFF, v0;
	v2 =	vsel vm1, $0xFFFFFF80, v2  }
0x33: {  	v3 =	vand.u32 $0xFFFFFC00, v2;
	v4 =	vand.u32 $0xFFFFFC00, v0  }
0x34: {  	v2 =	vand.u32 $0x380, v2;
	v3 =	vadd.s32 v4, v3  }
0x35: {  	v0 =	vand.u32 $0x7F, v0;
	v2 =	vor.u32 v2, v3  }
0x36: {  	v5 =	vshll.u32 v1, $0x7;
	v4 =	vshrl.u32 v1, $0xC;
	v0 =	vor.u32 v0, v2  }
0x37: {  	s16 =	sshll.u32 s12, $0x6;
	vm1 =	veq.s32 v1, $0x80000000;
	v1 =	vand.u32 $0x7, v4;
	v4 =	vand.u32 $0x7FF80, v5  }
0x38: {  	s16 =	sand.u32 $0x40, s16;
	s18 =	sadd.s32 $0x10, s15;
	v3 =	vsel vm1, $0xFFFFFFFF, v1;
	v4 =	vsel vm1, $0xFFFFFF80, v4  }
0x39: {  	s17 =	simm.s32 $0x20;
	s15 =	sor.u32 $0x80, s14;
	s14 =	sor.u32 $0x80, s16;
	v1 =	vld.msk [tilespmem:s18+$0x0 ss:$0x1], $0xffff;
	v5 =	vand.u32 $0xFFFFFC00, v4;
	v6 =	vand.u32 $0xFFFFFC00, v3  }
0x3a: {  	s16 =	sadd.s32 $0x10, s15;
	s18 =	sadd.s32 $0x10, s18;
	(ifvalue) =	ssetifvalue $0x7FFFFFFF;
	v2 =	vand.u32 $0x7F, v3;
	v4 =	vand.u32 $0x380, v4;
	v3 =	vadd.s32 v6, v5  }
.LBB2_3:
0x3b: {  	[tilespmem:s15], [sflag:$0x1] =	stream.indirect_vreg.gather [hbm4b:s4+s10], $0x1, v0, vm0, $0x4038;
	[tilespmem:$0x100] =	vst v63  }
0x3c: {  	s17 =	sadd.s32 $0x10, s17  }
0x3d: {  	v3 =	vor.u32 v4, v3;
	p1 =	slt.u32 s17, $0x30  }
.Ltmp3:
0x3e: {  	v4 =	vshrl.u32 v1, $0xC;
	v5 =	vshll.u32 v1, $0x7;
	s15 =	smov.u32 s16;
	v0 =	vor.u32 v2, v3;
	v2 =	vmovc v1;
	v1 =	vld.msk [tilespmem:s18+$0x0 ss:$0x1], $0xffff;
	(pc) =	sbr.rel @p1 .LBB2_3-.Ltmp3, $4  }
0x3f: {  	v3 =	vand.u32 $0x7FF80, v5;
	vm1 =	veq.s32 v2, $0x80000000;
	v2 =	vand.u32 $0x7, v4  }
0x40: {  	v4 =	vsel vm1, $0xFFFFFFFF, v2;
	v5 =	vsel vm1, $0xFFFFFF80, v3  }
0x41: {  	v2 =	vand.u32 $0x7F, v4;
	v3 =	vand.u32 $0xFFFFFC00, v5;
	v4 =	vand.u32 $0xFFFFFC00, v4  }
0x42: {  	s16 =	sadd.s32 $0x10, s16;
	s18 =	sadd.s32 $0x10, s18;
	v3 =	vadd.s32 v4, v3;
	v4 =	vand.u32 $0x380, v5;
	(ifvalue) =	ssetifvalue $0x7FFFFFFF  }
.Ltmp4:
0x43: {  	_ = 	snop;
	(pc) =	sbr.rel .LBB2_4-.Ltmp4, $1  }
0x44: {  	_ =	sdelay $0x3  }
.LBB2_6:
0x45: {  	_ =	sfence.sel $0x180000  }
0x46: {  	s2 =	simm.s32 $0x2;
	[bflag:$0x0] =	sbarrier.arrive $0xFFFF  }
0x47: {  	s30 =	simm.s32 $0x3;
	[sflag:s2] =	ssyncpa.u1 $0x1  }
0x48: {  	s31 =	simm.s32 $0x1;
	[sflag:s30] =	ssyncpa.u1 $0x1  }
0x49: {  	[sflag:s31] =	ssyncpa.u1 $0x1  }
0x4a: {  	p0 =	sne.s32 s0, $0x0;
	_ =	strace $0x90000047  }
0x4b: {  	s0 =	sadd.s32 @!p0 $0x100000, s1;
	[bflag:$0x2] =	sbarrier.arrive $0xFFFF  }
0x4c: {  	[sflag:s0] =	ssyncadd.tile.s32 @!p0 $0x1;
	_ =	shalt  }
.Lfunc_end2:
_tile_overlayer_lowered:
.L_overlay_start_2:
0x4d: {  	(tag) =	ssettag $0x2  }
0x4e: {  	s0 =	rddreg [dreg:$0x0];
	s2 =	stileid.u32  }
0x4f: {  	s1 =	rddreg [dreg:$0x1];
	p0 =	sne.s32 s2, $0x0  }
0x50: {  	s3 =	rddreg [dreg:$0x2];
	[bflag:$0x3] =	sbarrier.arrive $0xFFFF;
	s2 =	simm.s32 @!p0 $0x1C01  }
0x51: {  	[timem:s3], [sflag:s2] =	dma.local @!p0 [hbm:s0], s1  }
0x52: {  	s0 =	simm.s32 @!p0 $0x1  }
0x53: {  	_ =	swait.ge @!p0 [sflag:s0], s1  }
0x54: {  	s1 =	ssub.s32 @!p0 $0x0, s1;
	[sflag:s0] =	ssyncset.done @!p0 $0x0  }
0x55: {  	[sflag:s0] =	ssyncadd.s32 @!p0 s1  }
0x56: {  	[bflag:$0x3] =	sbarrier.arrive $0xFFFF  }
0x57: {  	_ =	shalt  }

// kernel: kernel.10.cloned.1.call-start
scs
__scs_entry_jumppad:
0x0: {  	(pc) =	sbr.rel $0x88, $3  }
0x1: {  	(tag) =	ssettag $0x0;
	lr =	simm.s32 $0x1  }
0x2: {  	[smem:$0x3F9C] =	sst lr;
	_ =	strace $0xD0000000  }
0x3: {  	_ = 	snop  }
0x4: {  	_ = 	snop  }
0x5: {  	_ = 	snop  }
0x6: {  	_ = 	snop  }
0x7: {  	_ = 	snop  }
__scs_overlays_trampoline_lowered:
0x8: {  	[smem:$0x3FAB] =	sst s0  }
0x9: {  	[smem:$0x3FAC] =	sst s1  }
0xa: {  	[smem:$0x3FAD] =	sst s2  }
0xb: {  	[smem:$0x3FAE] =	sst s3  }
0xc: {  	[smem:$0x3FAF] =	sst s4  }
0xd: {  	[smem:$0x3FB0] =	sst s5  }
0xe: {  	[smem:$0x3FB1] =	sst s6  }
0xf: {  	[smem:$0x3FB2] =	sst s7  }
0x10: {  	[smem:$0x3FB3] =	sst s8  }
0x11: {  	[smem:$0x3FB4] =	sst s9;
	s0 =	simm.s32 @!p0 $0x0  }
0x12: {  	s1 =	sld [smem:$0x3F9A];
	s0 =	simm.s32 @p0 $0x1  }
0x13: {  	[smem:$0x3FB5] =	sst s0;
	s0 =	simm.s32 @!p1 $0x0  }
0x14: {  	s2 =	sld [smem:$0x3F99];
	s0 =	simm.s32 @p1 $0x1  }
0x15: {  	[smem:$0x3FB6] =	sst s0;
	s0 =	simm.s32 @!p2 $0x0  }
0x16: {  	s3 =	sld [smem:$0x3FDB];
	s0 =	simm.s32 @p2 $0x1  }
0x17: {  	s4 =	simm.s32 $0x1BF5;
	[smem:$0x3FB8] =	sst s0  }
0x18: {  	s0 =	sld [smem:$0x3F9B];
	_ =	swait.ge [sflag:s4], $0x0  }
0x19: {  	s7 =	sld [smem:$0x3F9C]  }
0x1a: {  	s8 =	sadd.s32 $0xFFFFE003, lr  }
0x1b: {  	s9 =	sadd.s32 $0xFFFFFEF7, lr;
	s5 =	simm.s32 $0xFFFFFFFF;
	p2 =	slt.u32 s8, $0xFFFFF086  }
0x1c: {  	p1 =	slt.u32 s9, $0xF7A;
	s5 =	simm.s32 @!p2 $0x0  }
0x1d: {  	s5 =	simm.s32 @p1 $0x1;
	p0 =	seq.s32 s7, s2  }
0x1e: {  	s7 =	smul.u32 @!p0 $0xF7A, s2;
	p2 =	seq.s32 @!p0 s5, $0x0  }
0x1f: {  	s9 =	smul.u32 $0xF7A, s1;
	s8 =	simm.s32 @!p0 $0x1BF5;
	p2 =	por !p2, p0  }
0x20: {  	[sflag:s8] =	ssyncset.s32 @!p0 $0xFFFFF086;
	s6 =	sadd.s32 @!p0 s3, s7;
	s7 =	simm.s32 @!p0 $0x108  }
0x21: {  	s3 =	sadd.s32 s3, s9;
	s6 =	sadd.s32 @!p0 $0x88, s6;
	s7 =	simm.s32 @p2 $0x1082  }
0x22: {  	[simem:s7], [sflag:s8] =	dma.local @!p0 [hbm:s6], $0xF7A  }
0x23: {  	s9 =	sor.u32 $0xD0000000, s2;
	s6 =	simm.s32 $0x108;
	_ =	swait.ge @!p0 [sflag:s8], $0x0  }
0x24: {  	s3 =	sadd.s32 $0x88, s3;
	s6 =	simm.s32 @!p1 $0x1082;
	[sflag:s4] =	ssyncset.s32 $0xFFFFF086  }
0x25: {  	[simem:s6], [sflag:s4] =	dma.local [hbm:s3], $0xF7A  }
0x26: {  	[smem:$0x3F9C] =	sst s1;
	(tag) =	ssettag s2;
	_ =	strace s9  }
0x27: {  	s1 =	sld [smem:$0x3FAC]  }
0x28: {  	s2 =	sld [smem:$0x3FAD]  }
0x29: {  	s4 =	sld [smem:$0x3FAF]  }
0x2a: {  	p0 =	seq.s32 s5, $0x0;
	s5 =	sld [smem:$0x3FB0]  }
0x2b: {  	s6 =	sld [smem:$0x3FB1]  }
0x2c: {  	s7 =	sld [smem:$0x3FB2]  }
0x2d: {  	s3 =	simm.s32 $0x108;
	s8 =	sld [smem:$0x3FB3]  }
0x2e: {  	s3 =	simm.s32 @!p0 $0x1082;
	s9 =	sld [smem:$0x3FB4]  }
0x2f: {  	lr =	sadd.s32 s0, s3;
	s0 =	sld [smem:$0x3FAB]  }
0x30: {  	s3 =	sld [smem:$0x3FAE]  }
0x31: {  	[smem:$0x3FB7] =	sst s10  }
0x32: {  	s10 =	sld [smem:$0x3FB5];
	_ =	sdelay $0x3  }
0x33: {  	p0 =	seq.s32 s10, $0x1;
	s10 =	sld [smem:$0x3FB7];
	_ =	sdelay $0x3  }
0x34: {  	[smem:$0x3FB7] =	sst s10  }
0x35: {  	s10 =	sld [smem:$0x3FB6];
	_ =	sdelay $0x3  }
0x36: {  	p1 =	seq.s32 s10, $0x1;
	s10 =	sld [smem:$0x3FB7];
	_ =	sdelay $0x3  }
0x37: {  	[smem:$0x3FB7] =	sst s10  }
0x38: {  	s10 =	sld [smem:$0x3FB8]  }
0x39: {  	_ = 	snop;
	(pc) =	sbr.ind lr, $3  }
0x3a: {  	_ = 	snop  }
0x3b: {  	_ = 	snop  }
0x3c: {  	p2 =	seq.s32 s10, $0x1;
	s10 =	sld [smem:$0x3FB7]  }
0x3d: {  	_ =	shalt  }
0x3e: {  	_ =	shalt  }
0x3f: {  	_ =	shalt  }
0x40: {  	_ =	shalt  }
0x41: {  	_ =	shalt  }
0x42: {  	_ =	shalt  }
0x43: {  	_ =	shalt  }
0x44: {  	_ =	shalt  }
0x45: {  	_ =	shalt  }
0x46: {  	_ =	shalt  }
0x47: {  	_ =	shalt  }
0x48: {  	_ =	shalt  }
0x49: {  	_ =	shalt  }
0x4a: {  	_ =	shalt  }
0x4b: {  	_ =	shalt  }
0x4c: {  	_ =	shalt  }
0x4d: {  	_ =	shalt  }
0x4e: {  	_ =	shalt  }
0x4f: {  	_ =	shalt  }
0x50: {  	_ =	shalt  }
0x51: {  	_ =	shalt  }
0x52: {  	_ =	shalt  }
0x53: {  	_ =	shalt  }
0x54: {  	_ =	shalt  }
0x55: {  	_ =	shalt  }
0x56: {  	_ =	shalt  }
0x57: {  	_ =	shalt  }
0x58: {  	_ =	shalt  }
0x59: {  	_ =	shalt  }
0x5a: {  	_ =	shalt  }
0x5b: {  	_ =	shalt  }
0x5c: {  	_ =	shalt  }
0x5d: {  	_ =	shalt  }
0x5e: {  	_ =	shalt  }
0x5f: {  	_ =	shalt  }
0x60: {  	_ =	shalt  }
0x61: {  	_ =	shalt  }
0x62: {  	_ =	shalt  }
0x63: {  	_ =	shalt  }
0x64: {  	_ =	shalt  }
0x65: {  	_ =	shalt  }
0x66: {  	_ =	shalt  }
0x67: {  	_ =	shalt  }
0x68: {  	_ =	shalt  }
0x69: {  	_ =	shalt  }
0x6a: {  	_ =	shalt  }
0x6b: {  	_ =	shalt  }
0x6c: {  	_ =	shalt  }
0x6d: {  	_ =	shalt  }
0x6e: {  	_ =	shalt  }
0x6f: {  	_ =	shalt  }
0x70: {  	_ =	shalt  }
0x71: {  	_ =	shalt  }
0x72: {  	_ =	shalt  }
0x73: {  	_ =	shalt  }
0x74: {  	_ =	shalt  }
0x75: {  	_ =	shalt  }
0x76: {  	_ =	shalt  }
0x77: {  	_ =	shalt  }
0x78: {  	_ =	shalt  }
0x79: {  	_ =	shalt  }
0x7a: {  	_ =	shalt  }
0x7b: {  	_ =	shalt  }
0x7c: {  	_ =	shalt  }
0x7d: {  	_ =	shalt  }
0x7e: {  	_ =	shalt  }
0x7f: {  	_ =	shalt  }
0x80: {  	_ =	shalt  }
0x81: {  	_ =	shalt  }
0x82: {  	_ =	shalt  }
0x83: {  	_ =	shalt  }
0x84: {  	_ =	shalt  }
0x85: {  	_ =	shalt  }
0x86: {  	_ =	shalt  }
0x87: {  	_ =	shalt  }
.Lfunc_end0:
.L_simem_size_0:
called_computation.2_lowered:
.L_overlay_start_0:
0x88: {  	s2 =	sld [smem:$0x3FD9]  }
0x89: {  	s3 =	sld [smem:$0x3FFE];
	_ =	sdelay $0x1  }
0x8a: {  	s1 =	srdreg.scid  }
0x8b: {  	s0 =	sand.u32 $0x1, s1  }
0x8c: {  	s17 =	sshll.u32 s0, $0xA;
	s2 =	sadd.s32 s3, s2  }
0x8d: {  	s2 =	sadd.s32 s2, s17  }
0x8e: {  	[smem:$0x3FC3] =	sst s2  }
0x8f: {  	_ = 	snop  }
0x90: {  	s2 =	sld [smem:$0x3FD0];
	(tm) =	ssettm $0x1  }
0x91: {  	s18 =	sld [smem:$0x3FFB];
	_ =	sdelay $0x3  }
0x92: {  	_ =	strace s18  }
0x93: {  	s3 =	sld [smem:$0x3FFC];
	_ =	sdelay $0x3  }
0x94: {  	_ =	strace s3  }
0x95: {  	s3 =	sld [smem:$0x3FFD];
	_ =	sdelay $0x3  }
0x96: {  	_ =	strace s3  }
0x97: {  	_ =	strace $0x8FFFFFFF  }
0x98: {  	s19 =	sld [smem:$0x3FDB];
	_ =	sdelay $0x1  }
0x99: {  	s4 =	simm.s32 $_scs_section_size  }
0x9a: {  	s5 =	simm.s32 $_size__tile_overlayer_lowered;
	s6 =	simm.s32 $_tile_overlayer_lowered  }
0x9b: {  	s22 =	simm.s32 $0x1BFF;
	s21 =	sshll.u32 s6, $0x1;
	s3 =	sadd.s32 s4, s19  }
0x9c: {  	s7 =	simm.s32 $0x0;
	s20 =	sshll.u32 s5, $0x1;
	s5 =	sadd.s32 s21, s3  }
0x9d: {  	[timem:s7], [sflag:s22] =	dma.local [hbm:s5], s20  }
0x9e: {  	_ =	swait.ge [sflag:s22], s20  }
0x9f: {  	s4 =	ssub.s32 $0x0, s20;
	[sflag:s22] =	ssyncset.done $0x0  }
0xa0: {  	[sflag:s22] =	ssyncadd.s32 s4;
	_ =	sdelay $0x1  }
0xa1: {  	s23 =	simm.s32 $0x1B8B  }
0xa2: {  	_ =	swait.ge [sflag:s23], $0x1  }
0xa3: {  	[sflag:s23] =	ssyncset.done $0x0  }
0xa4: {  	s25 =	simm.s32 $0x1B8E;
	s24 =	sld [smem:$0x3FFE];
	[sflag:s23] =	ssyncadd.s32 $0xFFFFFFFF  }
0xa5: {  	s26 =	simm.s32 $execute0_lowered;
	[smem:$0x3FD2] =	sst s25  }
0xa6: {  	s5 =	sshll.u32 s26, $0x1;
	_ =	strace $0x8000004C;
	[dreg:$0x1] =	wrdreg $0xFFFFFFFF  }
0xa7: {  	s28 =	simm.s32 $_size_execute0_lowered;
	s3 =	sadd.s32 s3, s5;
	[dreg:$0x0] =	wrdreg $0x0  }
0xa8: {  	s5 =	sshll.u32 s28, $0x1;
	[dreg:$0x2] =	wrdreg s3  }
0xa9: {  	[dreg:$0x3] =	wrdreg s5  }
0xaa: {  	[dreg:$0x4] =	wrdreg $0xC0  }
0xab: {  	_ =	task [dreg:s7], $0x5FFFF  }
0xac: {  	[dreg:$0x1] =	wrdreg $0xFFFFFFFF  }
0xad: {  	[dreg:$0x0] =	wrdreg $0x60  }
0xae: {  	[dreg:$0x2] =	wrdreg s24  }
0xaf: {  	[dreg:$0x3] =	wrdreg s2  }
0xb0: {  	[dreg:$0x4] =	wrdreg $0x9  }
0xb1: {  	_ =	task.clear_ibuf [dreg:s7], $0x5FFFF;
	_ =	strace $0x9000004C  }
0xb2: {  	s29 =	simm.s32 $0x9;
	_ =	strace $0x8000004E  }
0xb3: {  	_ =	swait.ge [sflag:s29], $0x1  }
0xb4: {  	[sflag:s29] =	ssyncadd.s32 $0xFFFFFFFF  }
0xb5: {  	_ =	strace $0x9000004E  }
0xb6: {  	_ =	sfence  }
0xb7: {  	s30 =	sld [smem:$0x0];
	_ =	sdelay $0x2  }
0xb8: {  	s31 =	sshll.u32 s1, $0xD;
	s1 =	sshrl.u32 s1, $0x2  }
0xb9: {  	s3 =	sand.u32 $0x4000, s31;
	s1 =	sadd.s32 s1, s30  }
0xba: {  	s0 =	sor.u32 s3, s0;
	s1 =	sshll.u32 s1, $0x11  }
0xbb: {  	s0 =	sor.u32 s1, s0  }
0xbc: {  	s0 =	sadd.s32 $0x8F2B, s0  }
0xbd: {  	[sflag:s0] =	ssyncadd.remote.s32 $0x1  }
0xbe: {  	_ =	sfence.sel $0xFFFF  }
0xbf: {  	[dreg:$0x0] =	wrdreg $0xFFFFFFFF;
	(pc) =	sbr.abs _section_cstart, $3  }
0xc0: {  	[dreg:$0x1] =	wrdreg $0xFFFFFFFF  }
0xc1: {  	_ =	task.clear_ibuf [dreg:s7], $0x2FFFF;
	_ =	strace $0x9FFFFFFF  }
0xc2: {  	(tm) =	ssettm $0x7FFFFFFF  }
0xc3: {  	_ =	shalt  }
tec
execute0_lowered:
.L_overlay_start_1:
0x0: {  	(tag) =	ssettag $0x1  }
0x1: {  	s1 =	srdreg.scid  }
0x2: {  	s5 =	rddreg [dreg:$0x0];
	s0 =	stileid.u32  }
0x3: {  	s3 =	rddreg [dreg:$0x1];
	s2 =	simm.s32 $0x0;
	s15 =	simm.s32 $0x880  }
0x4: {  	s16 =	simm.s32 $0x1080;
	s17 =	simm.s32 $0x1880;
	[smem:$0x7FF] =	sst s2  }
0x5: {  	s18 =	simm.s32 $0x2080;
	_ =	strace $0x8000004D;
	[dreg:$0x5] =	wrdreg s15  }
0x6: {  	s19 =	simm.s32 $0x2880;
	s20 =	simm.s32 $0x3080;
	[dreg:$0x6] =	wrdreg s16  }
0x7: {  	s21 =	simm.s32 $0x3880;
	s22 =	simm.s32 $0x4080;
	[dreg:$0x7] =	wrdreg s17  }
0x8: {  	s23 =	simm.s32 $0x4880;
	s24 =	simm.s32 $0x5080;
	[dreg:$0x8] =	wrdreg s18  }
0x9: {  	s25 =	simm.s32 $0x5880;
	s8 =	simm.s32 $0x80;
	[dreg:$0x9] =	wrdreg s19  }
0xa: {  	s26 =	simm.s32 $0x6080;
	s10 =	simm.s32 $0x7080;
	[dreg:$0xa] =	wrdreg s20  }
0xb: {  	s11 =	simm.s32 $0x7880;
	s12 =	simm.s32 $0x8080;
	[dreg:$0xb] =	wrdreg s21  }
0xc: {  	s13 =	simm.s32 $0x8880;
	s14 =	simm.s32 $0x9080;
	[dreg:$0xc] =	wrdreg s22  }
0xd: {  	s28 =	simm.s32 $0xF880;
	s29 =	simm.s32 $0x1;
	[dreg:$0xd] =	wrdreg s23  }
0xe: {  	s30 =	simm.s32 $0x2;
	s31 =	simm.s32 $0x3;
	[dreg:$0xe] =	wrdreg s24  }
0xf: {  	s1 =	sand.u32 $0x1, s1;
	s4 =	sshll.u32 s0, $0x8;
	[dreg:$0xf] =	wrdreg s25  }
0x10: {  	s6 =	sshll.u32 s1, $0x7;
	s1 =	ssub.s32 $0x2, s1;
	[dreg:$0x10] =	wrdreg s26  }
0x11: {  	s15 =	simm.s32 $0x9880;
	s16 =	simm.s32 $0xA080;
	s17 =	simm.s32 $0xA880  }
0x12: {  	s18 =	simm.s32 $0xB080;
	s19 =	simm.s32 $0xB880;
	s20 =	simm.s32 $0xC080  }
0x13: {  	s21 =	simm.s32 $0xC880;
	s22 =	simm.s32 $0xD080;
	s23 =	simm.s32 $0xD880  }
0x14: {  	s24 =	simm.s32 $0xE080;
	s25 =	simm.s32 $0xE880;
	s4 =	sor.u32 s6, s4  }
0x15: {  	s26 =	simm.s32 $0xF080;
	s7 =	sshrl.u32 s1, $0x1;
	s6 =	sshrl.u32 s4, $0x3  }
0x16: {  	s4 =	sshll.u32 s4, $0x6;
	s1 =	ssub.s32 s1, s7;
	s6 =	sadd.s32 s5, s6  }
0x17: {  	v2 =	vlaneseq.u32;
	s7 =	simm.s32 $0x5;
	s3 =	sadd.s32 s3, s4;
	[dreg:$0x3] =	wrdreg s6  }
0x18: {  	vm0 =	vmmov $0xffff;
	v1 =	vshrl.u32 v2, $0x3;
	s4 =	sadd.s32 $0x1000, s3;
	s6 =	smax.u32 s1, $0x1;
	s1 =	simm.s32 $0x4  }
0x19: {  	v0 =	vand.u32 $0x7, v2;
	v2 =	vor.u32 $0x8, v2;
	v1 =	vmul.u32 $0x8, v1;
	[dreg:$0x4] =	wrdreg s4;
	s4 =	sadd.s32 $0x200, s5;
	s5 =	sadd.s32 $0x300, s5  }
.LBB2_1:
0x1a: {  	s0 =	rddreg [dreg:$0x3]  }
0x1b: {  	[tilespmem:s2], [sflag:$0x5] =	stream.linear.gather [hbm4b:s0+s2], $0x80, $0x38;
	[tilespmem:$0x10080] =	vst v63  }
0x1c: {  	_ =	swait.ge [sflag:s7], $0x80  }
0x1d: {  	[sflag:s7] =	ssyncset.done $0x0  }
0x1e: {  	[sflag:s7] =	ssyncadd.s32 $0xFFFFFF80  }
0x1f: {  	v3 =	vld [tilespmem:$0x0];
	_ =	sdelay $0x4  }
0x20: {  	v4 =	vshll.u32 v3, $0x2  }
0x21: {  	v3 =	vand.u32 $0x7, v3;
	v4 =	vand.u32 $0xFFFFFFE0, v4  }
0x22: {  	v3 =	vor.u32 v3, v4  }
0x23: {  	v4 =	vperm.xlane v3, v0;
	_ =	sdelay $0x1  }
0x24: {  	v4 =	vadd.s32 v1, v4;
	_ =	sdelay $0x1  }
0x25: {  	v3 =	vperm.xlane v3, v2;
	_ =	sdelay $0x1  }
0x26: {  	v3 =	vadd.s32 v1, v3  }
0x27: {  	[tilespmem:s8], [sflag:$0x1] =	stream.indirect_vreg.gather [hbm4b:s4+s2], $0x80, v4, vm0, $0xb8;
	[tilespmem:$0x10080] =	vst v63  }
0x28: {  	s0 =	rddreg [dreg:$0x5]  }
0x29: {  	[tilespmem:s0], [sflag:$0x1] =	stream.indirect_vreg.gather [hbm4b:s5+s2], $0x80, v4, vm0, $0xb8;
	[tilespmem:$0x10080] =	vst v63  }
0x2a: {  	s9 =	rddreg [dreg:$0x6]  }
0x2b: {  	[tilespmem:s9], [sflag:$0x1] =	stream.indirect_vreg.gather [hbm4b:s4+s2], $0x80, v3, vm0, $0xb8;
	[tilespmem:$0x10080] =	vst v63  }
0x2c: {  	s0 =	rddreg [dreg:$0x7]  }
0x2d: {  	[tilespmem:s0], [sflag:$0x1] =	stream.indirect_vreg.gather [hbm4b:s5+s2], $0x80, v3, vm0, $0xb8;
	[tilespmem:$0x10080] =	vst v63  }
0x2e: {  	v3 =	vld [tilespmem:$0x10];
	_ =	sdelay $0x4  }
0x2f: {  	v57 =	vshll.u32 v3, $0x2  }
0x30: {  	v3 =	vand.u32 $0x7, v3;
	v4 =	vand.u32 $0xFFFFFFE0, v57  }
0x31: {  	v3 =	vor.u32 v3, v4  }
0x32: {  	v4 =	vperm.xlane v3, v0;
	_ =	sdelay $0x1  }
0x33: {  	v4 =	vadd.s32 v1, v4;
	_ =	sdelay $0x1  }
0x34: {  	v3 =	vperm.xlane v3, v2;
	_ =	sdelay $0x1  }
0x35: {  	s0 =	rddreg [dreg:$0x8];
	v3 =	vadd.s32 v1, v3  }
0x36: {  	[tilespmem:s0], [sflag:$0x1] =	stream.indirect_vreg.gather [hbm4b:s4+s2], $0x80, v4, vm0, $0xb8;
	[tilespmem:$0x10080] =	vst v63  }
0x37: {  	s9 =	rddreg [dreg:$0x9]  }
0x38: {  	[tilespmem:s9], [sflag:$0x1] =	stream.indirect_vreg.gather [hbm4b:s5+s2], $0x80, v4, vm0, $0xb8;
	[tilespmem:$0x10080] =	vst v63  }
0x39: {  	s0 =	rddreg [dreg:$0xa]  }
0x3a: {  	[tilespmem:s0], [sflag:$0x1] =	stream.indirect_vreg.gather [hbm4b:s4+s2], $0x80, v3, vm0, $0xb8;
	[tilespmem:$0x10080] =	vst v63  }
0x3b: {  	s9 =	rddreg [dreg:$0xb]  }
0x3c: {  	[tilespmem:s9], [sflag:$0x1] =	stream.indirect_vreg.gather [hbm4b:s5+s2], $0x80, v3, vm0, $0xb8;
	[tilespmem:$0x10080] =	vst v63  }
0x3d: {  	v3 =	vld [tilespmem:$0x20];
	_ =	sdelay $0x4  }
0x3e: {  	v58 =	vshll.u32 v3, $0x2  }
0x3f: {  	v3 =	vand.u32 $0x7, v3;
	v4 =	vand.u32 $0xFFFFFFE0, v58  }
0x40: {  	v3 =	vor.u32 v3, v4  }
0x41: {  	v4 =	vperm.xlane v3, v0;
	_ =	sdelay $0x1  }
0x42: {  	v4 =	vadd.s32 v1, v4;
	_ =	sdelay $0x1  }
0x43: {  	v3 =	vperm.xlane v3, v2;
	_ =	sdelay $0x1  }
0x44: {  	s0 =	rddreg [dreg:$0xc];
	v3 =	vadd.s32 v1, v3  }
0x45: {  	[tilespmem:s0], [sflag:$0x1] =	stream.indirect_vreg.gather [hbm4b:s4+s2], $0x80, v4, vm0, $0xb8;
	[tilespmem:$0x10080] =	vst v63  }
0x46: {  	s9 =	rddreg [dreg:$0xd]  }
0x47: {  	[tilespmem:s9], [sflag:$0x1] =	stream.indirect_vreg.gather [hbm4b:s5+s2], $0x80, v4, vm0, $0xb8;
	[tilespmem:$0x10080] =	vst v63  }
0x48: {  	s0 =	rddreg [dreg:$0xe]  }
0x49: {  	[tilespmem:s0], [sflag:$0x1] =	stream.indirect_vreg.gather [hbm4b:s4+s2], $0x80, v3, vm0, $0xb8;
	[tilespmem:$0x10080] =	vst v63  }
0x4a: {  	s9 =	rddreg [dreg:$0xf]  }
0x4b: {  	[tilespmem:s9], [sflag:$0x1] =	stream.indirect_vreg.gather [hbm4b:s5+s2], $0x80, v3, vm0, $0xb8;
	[tilespmem:$0x10080] =	vst v63  }
0x4c: {  	v3 =	vld [tilespmem:$0x30];
	_ =	sdelay $0x4  }
0x4d: {  	v59 =	vshll.u32 v3, $0x2  }
0x4e: {  	v3 =	vand.u32 $0x7, v3;
	v4 =	vand.u32 $0xFFFFFFE0, v59  }
0x4f: {  	v3 =	vor.u32 v3, v4  }
0x50: {  	v4 =	vperm.xlane v3, v0;
	_ =	sdelay $0x1  }
0x51: {  	v4 =	vadd.s32 v1, v4;
	_ =	sdelay $0x1  }
0x52: {  	v3 =	vperm.xlane v3, v2;
	_ =	sdelay $0x1  }
0x53: {  	s9 =	rddreg [dreg:$0x10];
	v3 =	vadd.s32 v1, v3  }
0x54: {  	[tilespmem:s9], [sflag:$0x1] =	stream.indirect_vreg.gather [hbm4b:s4+s2], $0x80, v4, vm0, $0xb8;
	[tilespmem:$0x10080] =	vst v63  }
0x55: {  	s9 =	simm.s32 $0x6880  }
0x56: {  	[tilespmem:s9], [sflag:$0x1] =	stream.indirect_vreg.gather [hbm4b:s5+s2], $0x80, v4, vm0, $0xb8;
	[tilespmem:$0x10080] =	vst v63  }
0x57: {  	_ = 	snop  }
0x58: {  	[tilespmem:s10], [sflag:$0x1] =	stream.indirect_vreg.gather [hbm4b:s4+s2], $0x80, v3, vm0, $0xb8;
	[tilespmem:$0x10080] =	vst v63  }
0x59: {  	_ = 	snop  }
0x5a: {  	[tilespmem:s11], [sflag:$0x1] =	stream.indirect_vreg.gather [hbm4b:s5+s2], $0x80, v3, vm0, $0xb8;
	[tilespmem:$0x10080] =	vst v63  }
0x5b: {  	v3 =	vld [tilespmem:$0x40];
	_ =	sdelay $0x4  }
0x5c: {  	v60 =	vshll.u32 v3, $0x2  }
0x5d: {  	v3 =	vand.u32 $0x7, v3;
	v4 =	vand.u32 $0xFFFFFFE0, v60  }
0x5e: {  	v3 =	vor.u32 v3, v4  }
0x5f: {  	v4 =	vperm.xlane v3, v0;
	_ =	sdelay $0x1  }
0x60: {  	v4 =	vadd.s32 v1, v4;
	_ =	sdelay $0x1  }
0x61: {  	v3 =	vperm.xlane v3, v2;
	_ =	sdelay $0x1  }
0x62: {  	v3 =	vadd.s32 v1, v3  }
0x63: {  	[tilespmem:s12], [sflag:$0x2] =	stream.indirect_vreg.gather [hbm4b:s4+s2], $0x80, v4, vm0, $0xb8;
	[tilespmem:$0x10080] =	vst v63  }
0x64: {  	_ = 	snop  }
0x65: {  	[tilespmem:s13], [sflag:$0x2] =	stream.indirect_vreg.gather [hbm4b:s5+s2], $0x80, v4, vm0, $0xb8;
	[tilespmem:$0x10080] =	vst v63  }
0x66: {  	_ = 	snop  }
0x67: {  	[tilespmem:s14], [sflag:$0x2] =	stream.indirect_vreg.gather [hbm4b:s4+s2], $0x80, v3, vm0, $0xb8;
	[tilespmem:$0x10080] =	vst v63  }
0x68: {  	_ = 	snop  }
0x69: {  	[tilespmem:s15], [sflag:$0x2] =	stream.indirect_vreg.gather [hbm4b:s5+s2], $0x80, v3, vm0, $0xb8;
	[tilespmem:$0x10080] =	vst v63  }
0x6a: {  	v3 =	vld [tilespmem:$0x50];
	_ =	sdelay $0x4  }
0x6b: {  	v61 =	vshll.u32 v3, $0x2  }
0x6c: {  	v3 =	vand.u32 $0x7, v3;
	v4 =	vand.u32 $0xFFFFFFE0, v61  }
0x6d: {  	v3 =	vor.u32 v3, v4  }
0x6e: {  	v4 =	vperm.xlane v3, v0;
	_ =	sdelay $0x1  }
0x6f: {  	v4 =	vadd.s32 v1, v4;
	_ =	sdelay $0x1  }
0x70: {  	v3 =	vperm.xlane v3, v2;
	_ =	sdelay $0x1  }
0x71: {  	v3 =	vadd.s32 v1, v3  }
0x72: {  	[tilespmem:s16], [sflag:$0x2] =	stream.indirect_vreg.gather [hbm4b:s4+s2], $0x80, v4, vm0, $0xb8;
	[tilespmem:$0x10080] =	vst v63  }
0x73: {  	_ = 	snop  }
0x74: {  	[tilespmem:s17], [sflag:$0x2] =	stream.indirect_vreg.gather [hbm4b:s5+s2], $0x80, v4, vm0, $0xb8;
	[tilespmem:$0x10080] =	vst v63  }
0x75: {  	_ = 	snop  }
0x76: {  	[tilespmem:s18], [sflag:$0x2] =	stream.indirect_vreg.gather [hbm4b:s4+s2], $0x80, v3, vm0, $0xb8;
	[tilespmem:$0x10080] =	vst v63  }
0x77: {  	_ = 	snop  }
0x78: {  	[tilespmem:s19], [sflag:$0x2] =	stream.indirect_vreg.gather [hbm4b:s5+s2], $0x80, v3, vm0, $0xb8;
	[tilespmem:$0x10080] =	vst v63  }
0x79: {  	v3 =	vld [tilespmem:$0x60];
	_ =	sdelay $0x4  }
0x7a: {  	v62 =	vshll.u32 v3, $0x2  }
0x7b: {  	v3 =	vand.u32 $0x7, v3;
	v4 =	vand.u32 $0xFFFFFFE0, v62  }
0x7c: {  	v3 =	vor.u32 v3, v4  }
0x7d: {  	v4 =	vperm.xlane v3, v0;
	_ =	sdelay $0x1  }
0x7e: {  	v4 =	vadd.s32 v1, v4;
	_ =	sdelay $0x1  }
0x7f: {  	v3 =	vperm.xlane v3, v2;
	_ =	sdelay $0x1  }
0x80: {  	v3 =	vadd.s32 v1, v3  }
0x81: {  	[tilespmem:s20], [sflag:$0x2] =	stream.indirect_vreg.gather [hbm4b:s4+s2], $0x80, v4, vm0, $0xb8;
	[tilespmem:$0x10080] =	vst v63  }
0x82: {  	_ = 	snop  }
0x83: {  	[tilespmem:s21], [sflag:$0x2] =	stream.indirect_vreg.gather [hbm4b:s5+s2], $0x80, v4, vm0, $0xb8;
	[tilespmem:$0x10080] =	vst v63  }
0x84: {  	_ = 	snop  }
0x85: {  	[tilespmem:s22], [sflag:$0x2] =	stream.indirect_vreg.gather [hbm4b:s4+s2], $0x80, v3, vm0, $0xb8;
	[tilespmem:$0x10080] =	vst v63  }
0x86: {  	_ = 	snop  }
0x87: {  	[tilespmem:s23], [sflag:$0x2] =	stream.indirect_vreg.gather [hbm4b:s5+s2], $0x80, v3, vm0, $0xb8;
	[tilespmem:$0x10080] =	vst v63  }
0x88: {  	v3 =	vld [tilespmem:$0x70];
	_ =	sdelay $0x4  }
0x89: {  	v63 =	vshll.u32 v3, $0x2  }
0x8a: {  	v3 =	vand.u32 $0x7, v3;
	v4 =	vand.u32 $0xFFFFFFE0, v63  }
0x8b: {  	v3 =	vor.u32 v3, v4  }
0x8c: {  	v4 =	vperm.xlane v3, v0;
	_ =	sdelay $0x1  }
0x8d: {  	v4 =	vadd.s32 v1, v4;
	_ =	sdelay $0x1  }
0x8e: {  	v3 =	vperm.xlane v3, v2;
	_ =	sdelay $0x1  }
0x8f: {  	v3 =	vadd.s32 v1, v3  }
0x90: {  	[tilespmem:s24], [sflag:$0x2] =	stream.indirect_vreg.gather [hbm4b:s4+s2], $0x80, v4, vm0, $0xb8;
	[tilespmem:$0x10080] =	vst v63  }
0x91: {  	_ = 	snop  }
0x92: {  	[tilespmem:s25], [sflag:$0x2] =	stream.indirect_vreg.gather [hbm4b:s5+s2], $0x80, v4, vm0, $0xb8;
	[tilespmem:$0x10080] =	vst v63  }
0x93: {  	_ = 	snop  }
0x94: {  	[tilespmem:s26], [sflag:$0x2] =	stream.indirect_vreg.gather [hbm4b:s4+s2], $0x80, v3, vm0, $0xb8;
	[tilespmem:$0x10080] =	vst v63  }
0x95: {  	_ = 	snop  }
0x96: {  	[tilespmem:s28], [sflag:$0x2] =	stream.indirect_vreg.gather [hbm4b:s5+s2], $0x80, v3, vm0, $0xb8;
	[tilespmem:$0x10080] =	vst v63  }
0x97: {  	_ =	swait.ge [sflag:s29], $0x8000  }
0x98: {  	[sflag:s29] =	ssyncset.done $0x0  }
0x99: {  	[sflag:s29] =	ssyncadd.s32 $0xFFFF8000  }
0x9a: {  	[hbm4b:s3+s2] =	stream.linear.scatter [tilespmem:s8], [sflag:$0x3], $0x8000, $0x38;
	[tilespmem:$0x10080] =	vst v63  }
0x9b: {  	_ =	swait.ge [sflag:s30], $0x8000  }
0x9c: {  	[sflag:s30] =	ssyncset.done $0x0  }
0x9d: {  	s9 =	rddreg [dreg:$0x4];
	[sflag:s30] =	ssyncadd.s32 $0xFFFF8000  }
0x9e: {  	[hbm4b:s9+s2] =	stream.linear.scatter [tilespmem:s12], [sflag:$0x4], $0x8000, $0x38;
	[tilespmem:$0x10080] =	vst v63  }
0x9f: {  	p0 =	sne.s32 s6, $0x1;
	_ =	swait.ge [sflag:s31], $0x8000  }
.Ltmp0:
0xa0: {  	[sflag:s31] =	ssyncset.done $0x0;
	(pc) =	sbr.rel @p0 .LBB2_1-.Ltmp0, $4  }
0xa1: {  	[sflag:s31] =	ssyncadd.s32 $0xFFFF8000  }
0xa2: {  	_ =	swait.ge [sflag:s1], $0x8000  }
0xa3: {  	[sflag:s1] =	ssyncset.done $0x0  }
0xa4: {  	s6 =	sadd.s32 $0xFFFFFFFF, s6;
	[sflag:s1] =	ssyncadd.s32 $0xFFFF8000  }
0xa5: {  	_ =	sfence.sel $0x180000  }
0xa6: {  	[bflag:$0x0] =	sbarrier.arrive $0xFFFF  }
0xa7: {  	_ =	strace $0x9000004D  }
0xa8: {  	s0 =	stileid.u32;
	[bflag:$0x2] =	sbarrier.arrive $0xFFFF  }
0xa9: {  	p0 =	sne.s32 s0, $0x0;
	s0 =	rddreg [dreg:$0x2]  }
0xaa: {  	s0 =	sadd.s32 @!p0 $0x100000, s0  }
0xab: {  	[sflag:s0] =	ssyncadd.tile.s32 @!p0 $0x1;
	_ =	shalt  }
.Lfunc_end2:
_tile_overlayer_lowered:
.L_overlay_start_2:
0xac: {  	(tag) =	ssettag $0x2  }
0xad: {  	s0 =	rddreg [dreg:$0x0];
	s2 =	stileid.u32  }
0xae: {  	s1 =	rddreg [dreg:$0x1];
	p0 =	sne.s32 s2, $0x0  }
0xaf: {  	s3 =	rddreg [dreg:$0x2];
	[bflag:$0x3] =	sbarrier.arrive $0xFFFF;
	s2 =	simm.s32 @!p0 $0x1C05  }
0xb0: {  	[timem:s3], [sflag:s2] =	dma.local @!p0 [hbm:s0], s1  }
0xb1: {  	s0 =	simm.s32 @!p0 $0x5  }
0xb2: {  	_ =	swait.ge @!p0 [sflag:s0], s1  }
0xb3: {  	s1 =	ssub.s32 @!p0 $0x0, s1;
	[sflag:s0] =	ssyncset.done @!p0 $0x0  }
0xb4: {  	[sflag:s0] =	ssyncadd.s32 @!p0 s1  }
0xb5: {  	[bflag:$0x3] =	sbarrier.arrive $0xFFFF  }
0xb6: {  	_ =	shalt  }

// kernel: kernel.7.cloned.1.call-start
scs
__scs_entry_jumppad:
0x0: {  	(pc) =	sbr.rel $0x88, $3  }
0x1: {  	(tag) =	ssettag $0x0;
	lr =	simm.s32 $0x1  }
0x2: {  	[smem:$0x3F9C] =	sst lr;
	_ =	strace $0xD0000000  }
0x3: {  	_ = 	snop  }
0x4: {  	_ = 	snop  }
0x5: {  	_ = 	snop  }
0x6: {  	_ = 	snop  }
0x7: {  	_ = 	snop  }
__scs_overlays_trampoline_lowered:
0x8: {  	[smem:$0x3FAB] =	sst s0  }
0x9: {  	[smem:$0x3FAC] =	sst s1  }
0xa: {  	[smem:$0x3FAD] =	sst s2  }
0xb: {  	[smem:$0x3FAE] =	sst s3  }
0xc: {  	[smem:$0x3FAF] =	sst s4  }
0xd: {  	[smem:$0x3FB0] =	sst s5  }
0xe: {  	[smem:$0x3FB1] =	sst s6  }
0xf: {  	[smem:$0x3FB2] =	sst s7  }
0x10: {  	[smem:$0x3FB3] =	sst s8  }
0x11: {  	[smem:$0x3FB4] =	sst s9;
	s0 =	simm.s32 @!p0 $0x0  }
0x12: {  	s1 =	sld [smem:$0x3F9A];
	s0 =	simm.s32 @p0 $0x1  }
0x13: {  	[smem:$0x3FB5] =	sst s0;
	s0 =	simm.s32 @!p1 $0x0  }
0x14: {  	s2 =	sld [smem:$0x3F99];
	s0 =	simm.s32 @p1 $0x1  }
0x15: {  	[smem:$0x3FB6] =	sst s0;
	s0 =	simm.s32 @!p2 $0x0  }
0x16: {  	s3 =	sld [smem:$0x3FDB];
	s0 =	simm.s32 @p2 $0x1  }
0x17: {  	s4 =	simm.s32 $0x1BF5;
	[smem:$0x3FB8] =	sst s0  }
0x18: {  	s0 =	sld [smem:$0x3F9B];
	_ =	swait.ge [sflag:s4], $0x0  }
0x19: {  	s7 =	sld [smem:$0x3F9C]  }
0x1a: {  	s8 =	sadd.s32 $0xFFFFE003, lr  }
0x1b: {  	s9 =	sadd.s32 $0xFFFFFEF7, lr;
	s5 =	simm.s32 $0xFFFFFFFF;
	p2 =	slt.u32 s8, $0xFFFFF086  }
0x1c: {  	p1 =	slt.u32 s9, $0xF7A;
	s5 =	simm.s32 @!p2 $0x0  }
0x1d: {  	s5 =	simm.s32 @p1 $0x1;
	p0 =	seq.s32 s7, s2  }
0x1e: {  	s7 =	smul.u32 @!p0 $0xF7A, s2;
	p2 =	seq.s32 @!p0 s5, $0x0  }
0x1f: {  	s9 =	smul.u32 $0xF7A, s1;
	s8 =	simm.s32 @!p0 $0x1BF5;
	p2 =	por !p2, p0  }
0x20: {  	[sflag:s8] =	ssyncset.s32 @!p0 $0xFFFFF086;
	s6 =	sadd.s32 @!p0 s3, s7;
	s7 =	simm.s32 @!p0 $0x108  }
0x21: {  	s3 =	sadd.s32 s3, s9;
	s6 =	sadd.s32 @!p0 $0x88, s6;
	s7 =	simm.s32 @p2 $0x1082  }
0x22: {  	[simem:s7], [sflag:s8] =	dma.local @!p0 [hbm:s6], $0xF7A  }
0x23: {  	s9 =	sor.u32 $0xD0000000, s2;
	s6 =	simm.s32 $0x108;
	_ =	swait.ge @!p0 [sflag:s8], $0x0  }
0x24: {  	s3 =	sadd.s32 $0x88, s3;
	s6 =	simm.s32 @!p1 $0x1082;
	[sflag:s4] =	ssyncset.s32 $0xFFFFF086  }
0x25: {  	[simem:s6], [sflag:s4] =	dma.local [hbm:s3], $0xF7A  }
0x26: {  	[smem:$0x3F9C] =	sst s1;
	(tag) =	ssettag s2;
	_ =	strace s9  }
0x27: {  	s1 =	sld [smem:$0x3FAC]  }
0x28: {  	s2 =	sld [smem:$0x3FAD]  }
0x29: {  	s4 =	sld [smem:$0x3FAF]  }
0x2a: {  	p0 =	seq.s32 s5, $0x0;
	s5 =	sld [smem:$0x3FB0]  }
0x2b: {  	s6 =	sld [smem:$0x3FB1]  }
0x2c: {  	s7 =	sld [smem:$0x3FB2]  }
0x2d: {  	s3 =	simm.s32 $0x108;
	s8 =	sld [smem:$0x3FB3]  }
0x2e: {  	s3 =	simm.s32 @!p0 $0x1082;
	s9 =	sld [smem:$0x3FB4]  }
0x2f: {  	lr =	sadd.s32 s0, s3;
	s0 =	sld [smem:$0x3FAB]  }
0x30: {  	s3 =	sld [smem:$0x3FAE]  }
0x31: {  	[smem:$0x3FB7] =	sst s10  }
0x32: {  	s10 =	sld [smem:$0x3FB5];
	_ =	sdelay $0x3  }
0x33: {  	p0 =	seq.s32 s10, $0x1;
	s10 =	sld [smem:$0x3FB7];
	_ =	sdelay $0x3  }
0x34: {  	[smem:$0x3FB7] =	sst s10  }
0x35: {  	s10 =	sld [smem:$0x3FB6];
	_ =	sdelay $0x3  }
0x36: {  	p1 =	seq.s32 s10, $0x1;
	s10 =	sld [smem:$0x3FB7];
	_ =	sdelay $0x3  }
0x37: {  	[smem:$0x3FB7] =	sst s10  }
0x38: {  	s10 =	sld [smem:$0x3FB8]  }
0x39: {  	_ = 	snop;
	(pc) =	sbr.ind lr, $3  }
0x3a: {  	_ = 	snop  }
0x3b: {  	_ = 	snop  }
0x3c: {  	p2 =	seq.s32 s10, $0x1;
	s10 =	sld [smem:$0x3FB7]  }
0x3d: {  	_ =	shalt  }
0x3e: {  	_ =	shalt  }
0x3f: {  	_ =	shalt  }
0x40: {  	_ =	shalt  }
0x41: {  	_ =	shalt  }
0x42: {  	_ =	shalt  }
0x43: {  	_ =	shalt  }
0x44: {  	_ =	shalt  }
0x45: {  	_ =	shalt  }
0x46: {  	_ =	shalt  }
0x47: {  	_ =	shalt  }
0x48: {  	_ =	shalt  }
0x49: {  	_ =	shalt  }
0x4a: {  	_ =	shalt  }
0x4b: {  	_ =	shalt  }
0x4c: {  	_ =	shalt  }
0x4d: {  	_ =	shalt  }
0x4e: {  	_ =	shalt  }
0x4f: {  	_ =	shalt  }
0x50: {  	_ =	shalt  }
0x51: {  	_ =	shalt  }
0x52: {  	_ =	shalt  }
0x53: {  	_ =	shalt  }
0x54: {  	_ =	shalt  }
0x55: {  	_ =	shalt  }
0x56: {  	_ =	shalt  }
0x57: {  	_ =	shalt  }
0x58: {  	_ =	shalt  }
0x59: {  	_ =	shalt  }
0x5a: {  	_ =	shalt  }
0x5b: {  	_ =	shalt  }
0x5c: {  	_ =	shalt  }
0x5d: {  	_ =	shalt  }
0x5e: {  	_ =	shalt  }
0x5f: {  	_ =	shalt  }
0x60: {  	_ =	shalt  }
0x61: {  	_ =	shalt  }
0x62: {  	_ =	shalt  }
0x63: {  	_ =	shalt  }
0x64: {  	_ =	shalt  }
0x65: {  	_ =	shalt  }
0x66: {  	_ =	shalt  }
0x67: {  	_ =	shalt  }
0x68: {  	_ =	shalt  }
0x69: {  	_ =	shalt  }
0x6a: {  	_ =	shalt  }
0x6b: {  	_ =	shalt  }
0x6c: {  	_ =	shalt  }
0x6d: {  	_ =	shalt  }
0x6e: {  	_ =	shalt  }
0x6f: {  	_ =	shalt  }
0x70: {  	_ =	shalt  }
0x71: {  	_ =	shalt  }
0x72: {  	_ =	shalt  }
0x73: {  	_ =	shalt  }
0x74: {  	_ =	shalt  }
0x75: {  	_ =	shalt  }
0x76: {  	_ =	shalt  }
0x77: {  	_ =	shalt  }
0x78: {  	_ =	shalt  }
0x79: {  	_ =	shalt  }
0x7a: {  	_ =	shalt  }
0x7b: {  	_ =	shalt  }
0x7c: {  	_ =	shalt  }
0x7d: {  	_ =	shalt  }
0x7e: {  	_ =	shalt  }
0x7f: {  	_ =	shalt  }
0x80: {  	_ =	shalt  }
0x81: {  	_ =	shalt  }
0x82: {  	_ =	shalt  }
0x83: {  	_ =	shalt  }
0x84: {  	_ =	shalt  }
0x85: {  	_ =	shalt  }
0x86: {  	_ =	shalt  }
0x87: {  	_ =	shalt  }
.Lfunc_end0:
.L_simem_size_0:
called_computation.1_lowered:
.L_overlay_start_0:
0x88: {  	s2 =	sld [smem:$0x3FD9]  }
0x89: {  	s3 =	sld [smem:$0x3FFE];
	_ =	sdelay $0x1  }
0x8a: {  	s1 =	srdreg.scid  }
0x8b: {  	s0 =	sand.u32 $0x1, s1  }
0x8c: {  	s17 =	sshll.u32 s0, $0xA;
	s2 =	sadd.s32 s3, s2  }
0x8d: {  	s2 =	sadd.s32 s2, s17  }
0x8e: {  	[smem:$0x3FC3] =	sst s2  }
0x8f: {  	_ = 	snop  }
0x90: {  	s2 =	sld [smem:$0x3FD0];
	(tm) =	ssettm $0x1  }
0x91: {  	s18 =	sld [smem:$0x3FFB];
	_ =	sdelay $0x3  }
0x92: {  	_ =	strace s18  }
0x93: {  	s3 =	sld [smem:$0x3FFC];
	_ =	sdelay $0x3  }
0x94: {  	_ =	strace s3  }
0x95: {  	s3 =	sld [smem:$0x3FFD];
	_ =	sdelay $0x3  }
0x96: {  	_ =	strace s3  }
0x97: {  	_ =	strace $0x8FFFFFFF  }
0x98: {  	s19 =	sld [smem:$0x3FDB];
	_ =	sdelay $0x1  }
0x99: {  	s4 =	simm.s32 $_scs_section_size  }
0x9a: {  	s5 =	simm.s32 $_size__tile_overlayer_lowered;
	s6 =	simm.s32 $_tile_overlayer_lowered  }
0x9b: {  	s22 =	simm.s32 $0x1BFF;
	s21 =	sshll.u32 s6, $0x1;
	s3 =	sadd.s32 s4, s19  }
0x9c: {  	s7 =	simm.s32 $0x0;
	s20 =	sshll.u32 s5, $0x1;
	s5 =	sadd.s32 s21, s3  }
0x9d: {  	[timem:s7], [sflag:s22] =	dma.local [hbm:s5], s20  }
0x9e: {  	_ =	swait.ge [sflag:s22], s20  }
0x9f: {  	s4 =	ssub.s32 $0x0, s20;
	[sflag:s22] =	ssyncset.done $0x0  }
0xa0: {  	[sflag:s22] =	ssyncadd.s32 s4;
	_ =	sdelay $0x1  }
0xa1: {  	s23 =	simm.s32 $0x1B8B  }
0xa2: {  	_ =	swait.ge [sflag:s23], $0x1  }
0xa3: {  	[sflag:s23] =	ssyncset.done $0x0  }
0xa4: {  	s25 =	simm.s32 $0x1B8E;
	s24 =	sld [smem:$0x3FFE];
	[sflag:s23] =	ssyncadd.s32 $0xFFFFFFFF  }
0xa5: {  	s26 =	simm.s32 $execute0_lowered;
	[smem:$0x3FD2] =	sst s25  }
0xa6: {  	s5 =	sshll.u32 s26, $0x1;
	_ =	strace $0x80000049;
	[dreg:$0x1] =	wrdreg $0xFFFFFFFF  }
0xa7: {  	s28 =	simm.s32 $_size_execute0_lowered;
	s3 =	sadd.s32 s3, s5;
	[dreg:$0x0] =	wrdreg $0x0  }
0xa8: {  	s5 =	sshll.u32 s28, $0x1;
	[dreg:$0x2] =	wrdreg s3  }
0xa9: {  	[dreg:$0x3] =	wrdreg s5  }
0xaa: {  	[dreg:$0x4] =	wrdreg $0xC0  }
0xab: {  	_ =	task [dreg:s7], $0x5FFFF  }
0xac: {  	[dreg:$0x1] =	wrdreg $0xFFFFFFFF  }
0xad: {  	[dreg:$0x0] =	wrdreg $0x60  }
0xae: {  	[dreg:$0x2] =	wrdreg s2  }
0xaf: {  	[dreg:$0x3] =	wrdreg s24  }
0xb0: {  	[dreg:$0x4] =	wrdreg $0x31800  }
0xb1: {  	[dreg:$0x5] =	wrdreg $0x9  }
0xb2: {  	_ =	task.clear_ibuf [dreg:s7], $0x6FFFF;
	_ =	strace $0x90000049  }
0xb3: {  	s29 =	simm.s32 $0x9;
	_ =	strace $0x8000004B  }
0xb4: {  	_ =	swait.ge [sflag:s29], $0x1  }
0xb5: {  	[sflag:s29] =	ssyncadd.s32 $0xFFFFFFFF  }
0xb6: {  	_ =	strace $0x9000004B  }
0xb7: {  	_ =	sfence  }
0xb8: {  	s30 =	sld [smem:$0x0];
	_ =	sdelay $0x2  }
0xb9: {  	s31 =	sshll.u32 s1, $0xD;
	s1 =	sshrl.u32 s1, $0x2  }
0xba: {  	s3 =	sand.u32 $0x4000, s31;
	s1 =	sadd.s32 s1, s30  }
0xbb: {  	s0 =	sor.u32 s3, s0;
	s1 =	sshll.u32 s1, $0x11  }
0xbc: {  	s0 =	sor.u32 s1, s0  }
0xbd: {  	s0 =	sadd.s32 $0x8F2B, s0  }
0xbe: {  	[sflag:s0] =	ssyncadd.remote.s32 $0x1  }
0xbf: {  	_ =	sfence.sel $0xFFFF  }
0xc0: {  	[dreg:$0x0] =	wrdreg $0xFFFFFFFF;
	(pc) =	sbr.abs _section_cstart, $3  }
0xc1: {  	[dreg:$0x1] =	wrdreg $0xFFFFFFFF  }
0xc2: {  	_ =	task.clear_ibuf [dreg:s7], $0x2FFFF;
	_ =	strace $0x9FFFFFFF  }
0xc3: {  	(tm) =	ssettm $0x7FFFFFFF  }
tec
execute0_lowered:
.L_overlay_start_1:
0x0: {  	(tag) =	ssettag $0x1  }
0x1: {  	s3 =	rddreg [dreg:$0x0]  }
0x2: {  	s4 =	rddreg [dreg:$0x1]  }
0x3: {  	s1 =	rddreg [dreg:$0x2];
	s0 =	stileid.u32  }
0x4: {  	s30 =	rddreg [dreg:$0x3];
	s2 =	simm.s32 $0x0;
	s6 =	srdreg.scid  }
0x5: {  	p1 =	por $0x0, $0x0;
	s5 =	smul.u32 $0x30, s0;
	[smem:$0x7FF] =	sst s2  }
0x6: {  	s6 =	sand.u32 $0x1, s6;
	s7 =	smul.u32 $0x30000, s0;
	p0 =	sne.s32 s0, $0x0  }
0x7: {  	_ =	strace $0x8000004A;
	s16 =	sshll.u32 s6, $0xB;
	s8 =	sshll.u32 s6, $0x8  }
0x8: {  	s6 =	ssub.s32 $0x2, s6;
	s5 =	sadd.s32 s5, s4;
	s4 =	sadd.s32 $0x10600, s4  }
0x9: {  	s9 =	sor.u32 s16, s7;
	s10 =	sor.u32 $0x6000, s7;
	s11 =	sadd.s32 s3, s8  }
0xa: {  	s14 =	sadd.s32 $0x18000, s7;
	s25 =	sadd.s32 $0x1E000, s7;
	s18 =	sadd.s32 $0x24000, s7  }
0xb: {  	s17 =	sadd.s32 $0x2A000, s7;
	s5 =	sadd.s32 $0x10200, s5;
	s9 =	sshrl.u32 s9, $0x3  }
0xc: {  	s12 =	sor.u32 s16, s10;
	[dreg:$0x5] =	wrdreg s11;
	s11 =	sor.u32 $0xC000, s7  }
0xd: {  	s15 =	sor.u32 s16, s14;
	s26 =	sor.u32 s16, s25;
	s28 =	sor.u32 s16, s18  }
0xe: {  	s25 =	sshrl.u32 s25, $0x3;
	[dreg:$0x4] =	wrdreg s5;
	s9 =	sadd.s32 s4, s9  }
0xf: {  	s19 =	sshrl.u32 s12, $0x3;
	s21 =	sor.u32 s16, s11;
	s12 =	sadd.s32 $0x12000, s7  }
0x10: {  	s23 =	sshrl.u32 s15, $0x3;
	s15 =	sshrl.u32 s28, $0x3;
	s5 =	sor.u32 s16, s17  }
0x11: {  	s7 =	sshrl.u32 s7, $0x3;
	s28 =	sshrl.u32 s17, $0x3;
	s17 =	simm.s32 $0x150  }
0x12: {  	[dreg:$0x6] =	wrdreg s9;
	s20 =	sadd.s32 s4, s19;
	s9 =	sshrl.u32 s21, $0x3  }
0x13: {  	s13 =	sor.u32 s16, s12;
	s24 =	sadd.s32 s4, s23;
	s29 =	sadd.s32 s4, s15  }
0x14: {  	s5 =	sshrl.u32 s5, $0x3;
	s15 =	sshrl.u32 s6, $0x1;
	s16 =	sor.u32 $0x80, s8  }
0x15: {  	s23 =	sshrl.u32 s12, $0x3;
	s12 =	simm.s32 $0x30;
	[dreg:$0x7] =	wrdreg s20  }
0x16: {  	s8 =	simm.s32 $0x400;
	s9 =	sadd.s32 s4, s9;
	[dreg:$0xa] =	wrdreg s24  }
0x17: {  	s13 =	sshrl.u32 s13, $0x3;
	[dreg:$0xc] =	wrdreg s29;
	s5 =	sadd.s32 s4, s5  }
0x18: {  	s3 =	sadd.s32 s3, s16;
	s20 =	sshrl.u32 s10, $0x3;
	s6 =	ssub.s32 s6, s15  }
0x19: {  	s24 =	sshrl.u32 s14, $0x3;
	s10 =	simm.s32 $0x180;
	[dreg:$0x8] =	wrdreg s9  }
0x1a: {  	s14 =	simm.s32 $0x2;
	s22 =	sadd.s32 s4, s13;
	[dreg:$0xd] =	wrdreg s5  }
0x1b: {  	s9 =	sshrl.u32 s26, $0x3;
	s5 =	sadd.s32 s4, s16;
	[dreg:$0xe] =	wrdreg s3  }
0x1c: {  	s26 =	sshrl.u32 s18, $0x3;
	s29 =	smax.u32 s6, $0x1;
	s13 =	simm.s32 $0x1  }
0x1d: {  	s6 =	simm.s32 $0x3;
	s18 =	simm.s32 $0x120;
	[dreg:$0x9] =	wrdreg s22  }
0x1e: {  	s9 =	sadd.s32 s4, s9;
	s19 =	sadd.s32 s7, s5;
	s21 =	sadd.s32 s20, s5  }
0x1f: {  	s22 =	sshrl.u32 s11, $0x3;
	s31 =	sadd.s32 s23, s5;
	s16 =	sadd.s32 s24, s5  }
0x20: {  	s15 =	sadd.s32 s25, s5;
	s4 =	sadd.s32 s28, s5;
	s0 =	sadd.s32 $0xFFFFFFFF, s29  }
0x21: {  	s25 =	simm.s32 $0x5;
	s11 =	simm.s32 $0x1000;
	p2 =	sne.s32 s0, $0x0  }
.Ltmp0:
0x22: {  	s23 =	simm.s32 $0x60;
	[dreg:$0xb] =	wrdreg s9;
	(pc) =	sbr.rel @!p2 .LBB2_1-.Ltmp0, $4  }
0x23: {  	s7 =	simm.s32 $0x4;
	s20 =	simm.s32 $0xF0;
	[dreg:$0xf] =	wrdreg s19  }
0x24: {  	s24 =	sshrl.u32 @!p0 s1, $0x3;
	[dreg:$0x10] =	wrdreg s21;
	s3 =	sadd.s32 s22, s5  }
0x25: {  	s9 =	sadd.s32 s26, s5;
	s5 =	simm.s32 $0x1980;
	[dreg:$0x11] =	wrdreg s3  }
0x26: {  	s22 =	simm.s32 $0x90;
	s21 =	simm.s32 $0xC0;
	s3 =	rddreg [dreg:$0x4]  }
0x27: {  	[tilespmem:s2], [sflag:$0x5] =	stream.linear.gather [hbm4b:s3+s2], $0x180, $0x38;
	[tilespmem:$0x7180] =	vst v63  }
0x28: {  	s26 =	simm.s32 @!p0 $0x5  }
0x29: {  	s19 =	simm.s32 @!p0 $0x200;
	s29 =	simm.s32 @!p0 $0x1C05;
	_ =	swait.ge [sflag:s25], $0x180  }
0x2a: {  	s30 =	simm.s32 @!p0 $0x8;
	s18 =	smov.u32 s31;
	[sflag:s25] =	ssyncset.done $0x0  }
0x2b: {  	s31 =	simm.s32 @!p0 $0x80;
	s3 =	rddreg [dreg:$0x5];
	[sflag:s25] =	ssyncadd.s32 $0xFFFFFE80  }
0x2c: {  	[spmem:s24@s31], [sflag:s29] =	dma.strided @!p0 [hbm:s3@s19], $0x8000, s30, $0x10   }
0x2d: {  	_ =	swait.ge @!p0 [sflag:s26], $0x8000  }
0x2e: {  	[sflag:s26] =	ssyncset.done @!p0 $0x0  }
0x2f: {  	[sflag:s26] =	ssyncadd.s32 @!p0 $0xFFFF8000  }
0x30: {  	[bflag:$0x0] =	sbarrier.arrive $0xFFFF  }
0x31: {  	[tilespmem:s10], [sflag:$0x1] =	stream.indirect.gather [spmem:s1], $0x80, s2, s12, $0xb8;
	[tilespmem:$0x7180] =	vst v63  }
0x32: {  	_ = 	snop  }
0x33: {  	[tilespmem:s5], [sflag:$0x2] =	stream.indirect.gather [spmem:s1], $0x80, s12, s12, $0xb8;
	[tilespmem:$0x7180] =	vst v63  }
0x34: {  	_ =	swait.ge [sflag:s13], $0x1800  }
0x35: {  	[sflag:s13] =	ssyncset.done $0x0  }
0x36: {  	s3 =	rddreg [dreg:$0x6];
	[sflag:s13] =	ssyncadd.s32 $0xFFFFE800  }
0x37: {  	[hbm4b:s3+s8] =	stream.strided.scatter [tilespmem:s10], [sflag:$0x3], $0x1800, s11, s8, $0x38;
	[tilespmem:$0x7180] =	vst v63  }
0x38: {  	_ =	swait.ge [sflag:s6], $0x1800  }
0x39: {  	[sflag:s6] =	ssyncset.done $0x0  }
0x3a: {  	s28 =	simm.s32 $0x60;
	[sflag:s6] =	ssyncadd.s32 $0xFFFFE800  }
0x3b: {  	[tilespmem:s10], [sflag:$0x1] =	stream.indirect.gather [spmem:s1], $0x80, s28, s12, $0xb8;
	[tilespmem:$0x7180] =	vst v63  }
0x3c: {  	_ =	swait.ge [sflag:s14], $0x1800  }
0x3d: {  	[sflag:s14] =	ssyncset.done $0x0  }
0x3e: {  	s3 =	rddreg [dreg:$0x7];
	[sflag:s14] =	ssyncadd.s32 $0xFFFFE800  }
0x3f: {  	[hbm4b:s3+s8] =	stream.strided.scatter [tilespmem:s5], [sflag:$0x4], $0x1800, s11, s8, $0x38;
	[tilespmem:$0x7180] =	vst v63  }
0x40: {  	_ =	swait.ge [sflag:s7], $0x1800  }
0x41: {  	[sflag:s7] =	ssyncset.done $0x0  }
0x42: {  	s23 =	simm.s32 $0x90;
	[sflag:s7] =	ssyncadd.s32 $0xFFFFE800  }
0x43: {  	[tilespmem:s5], [sflag:$0x2] =	stream.indirect.gather [spmem:s1], $0x80, s23, s12, $0xb8;
	[tilespmem:$0x7180] =	vst v63  }
0x44: {  	_ =	swait.ge [sflag:s13], $0x1800  }
0x45: {  	[sflag:s13] =	ssyncset.done $0x0  }
0x46: {  	s3 =	rddreg [dreg:$0x8];
	[sflag:s13] =	ssyncadd.s32 $0xFFFFE800  }
0x47: {  	[hbm4b:s3+s8] =	stream.strided.scatter [tilespmem:s10], [sflag:$0x3], $0x1800, s11, s8, $0x38;
	[tilespmem:$0x7180] =	vst v63  }
0x48: {  	_ =	swait.ge [sflag:s6], $0x1800  }
0x49: {  	[sflag:s6] =	ssyncset.done $0x0  }
0x4a: {  	s22 =	simm.s32 $0xC0;
	[sflag:s6] =	ssyncadd.s32 $0xFFFFE800  }
0x4b: {  	[tilespmem:s10], [sflag:$0x1] =	stream.indirect.gather [spmem:s1], $0x80, s22, s12, $0xb8;
	[tilespmem:$0x7180] =	vst v63  }
0x4c: {  	_ =	swait.ge [sflag:s14], $0x1800  }
0x4d: {  	[sflag:s14] =	ssyncset.done $0x0  }
0x4e: {  	s3 =	rddreg [dreg:$0x9];
	[sflag:s14] =	ssyncadd.s32 $0xFFFFE800  }
0x4f: {  	[hbm4b:s3+s8] =	stream.strided.scatter [tilespmem:s5], [sflag:$0x4], $0x1800, s11, s8, $0x38;
	[tilespmem:$0x7180] =	vst v63  }
0x50: {  	_ =	swait.ge [sflag:s7], $0x1800  }
0x51: {  	[sflag:s7] =	ssyncset.done $0x0  }
0x52: {  	s21 =	simm.s32 $0xF0;
	[sflag:s7] =	ssyncadd.s32 $0xFFFFE800  }
0x53: {  	[tilespmem:s5], [sflag:$0x2] =	stream.indirect.gather [spmem:s1], $0x80, s21, s12, $0xb8;
	[tilespmem:$0x7180] =	vst v63  }
0x54: {  	_ =	swait.ge [sflag:s13], $0x1800  }
0x55: {  	[sflag:s13] =	ssyncset.done $0x0  }
0x56: {  	s3 =	rddreg [dreg:$0xa];
	[sflag:s13] =	ssyncadd.s32 $0xFFFFE800  }
0x57: {  	[hbm4b:s3+s8] =	stream.strided.scatter [tilespmem:s10], [sflag:$0x3], $0x1800, s11, s8, $0x38;
	[tilespmem:$0x7180] =	vst v63  }
0x58: {  	_ =	swait.ge [sflag:s6], $0x1800  }
0x59: {  	[sflag:s6] =	ssyncset.done $0x0  }
0x5a: {  	s20 =	simm.s32 $0x120;
	[sflag:s6] =	ssyncadd.s32 $0xFFFFE800  }
0x5b: {  	[tilespmem:s10], [sflag:$0x1] =	stream.indirect.gather [spmem:s1], $0x80, s20, s12, $0xb8;
	[tilespmem:$0x7180] =	vst v63  }
0x5c: {  	_ =	swait.ge [sflag:s14], $0x1800  }
0x5d: {  	[sflag:s14] =	ssyncset.done $0x0  }
0x5e: {  	s3 =	rddreg [dreg:$0xb];
	[sflag:s14] =	ssyncadd.s32 $0xFFFFE800  }
0x5f: {  	[hbm4b:s3+s8] =	stream.strided.scatter [tilespmem:s5], [sflag:$0x4], $0x1800, s11, s8, $0x38;
	[tilespmem:$0x7180] =	vst v63  }
0x60: {  	_ =	swait.ge [sflag:s7], $0x1800  }
0x61: {  	[sflag:s7] =	ssyncset.done $0x0  }
0x62: {  	s17 =	simm.s32 $0x150;
	[sflag:s7] =	ssyncadd.s32 $0xFFFFE800  }
0x63: {  	[tilespmem:s5], [sflag:$0x2] =	stream.indirect.gather [spmem:s1], $0x80, s17, s12, $0xb8;
	[tilespmem:$0x7180] =	vst v63  }
0x64: {  	_ =	swait.ge [sflag:s13], $0x1800  }
0x65: {  	[sflag:s13] =	ssyncset.done $0x0  }
0x66: {  	s3 =	rddreg [dreg:$0xc];
	[sflag:s13] =	ssyncadd.s32 $0xFFFFE800  }
0x67: {  	[hbm4b:s3+s8] =	stream.strided.scatter [tilespmem:s10], [sflag:$0x3], $0x1800, s11, s8, $0x38;
	[tilespmem:$0x7180] =	vst v63  }
0x68: {  	_ =	swait.ge [sflag:s14], $0x1800  }
0x69: {  	[sflag:s14] =	ssyncset.done $0x0  }
0x6a: {  	s3 =	rddreg [dreg:$0xd];
	[sflag:s14] =	ssyncadd.s32 $0xFFFFE800  }
0x6b: {  	[hbm4b:s3+s8] =	stream.strided.scatter [tilespmem:s5], [sflag:$0x4], $0x1800, s11, s8, $0x38;
	[tilespmem:$0x7180] =	vst v63  }
0x6c: {  	_ =	swait.ge [sflag:s6], $0x1800  }
0x6d: {  	[sflag:s6] =	ssyncset.done $0x0  }
0x6e: {  	[sflag:s6] =	ssyncadd.s32 $0xFFFFE800  }
0x6f: {  	_ =	swait.ge [sflag:s7], $0x1800  }
0x70: {  	[sflag:s7] =	ssyncset.done $0x0  }
0x71: {  	[sflag:s7] =	ssyncadd.s32 $0xFFFFE800  }
0x72: {  	[bflag:$0x0] =	sbarrier.arrive $0xFFFF  }
0x73: {  	s3 =	rddreg [dreg:$0xe]  }
0x74: {  	[spmem:s24@s31], [sflag:s29] =	dma.strided @!p0 [hbm:s3@s19], $0x8000, s30, $0x10   }
0x75: {  	_ =	swait.ge @!p0 [sflag:s26], $0x8000  }
0x76: {  	[sflag:s26] =	ssyncset.done @!p0 $0x0  }
0x77: {  	[sflag:s26] =	ssyncadd.s32 @!p0 $0xFFFF8000  }
0x78: {  	[bflag:$0x0] =	sbarrier.arrive $0xFFFF  }
0x79: {  	[tilespmem:s10], [sflag:$0x1] =	stream.indirect.gather [spmem:s1], $0x80, s2, s12, $0xb8;
	[tilespmem:$0x7180] =	vst v63  }
0x7a: {  	_ = 	snop  }
0x7b: {  	[tilespmem:s5], [sflag:$0x2] =	stream.indirect.gather [spmem:s1], $0x80, s12, s12, $0xb8;
	[tilespmem:$0x7180] =	vst v63  }
0x7c: {  	_ =	swait.ge [sflag:s13], $0x1800  }
0x7d: {  	[sflag:s13] =	ssyncset.done $0x0  }
0x7e: {  	s3 =	rddreg [dreg:$0xf];
	[sflag:s13] =	ssyncadd.s32 $0xFFFFE800  }
0x7f: {  	[hbm4b:s3+s8] =	stream.strided.scatter [tilespmem:s10], [sflag:$0x3], $0x1800, s11, s8, $0x38;
	[tilespmem:$0x7180] =	vst v63  }
0x80: {  	_ =	swait.ge [sflag:s6], $0x1800  }
0x81: {  	[sflag:s6] =	ssyncset.done $0x0  }
0x82: {  	[sflag:s6] =	ssyncadd.s32 $0xFFFFE800  }
0x83: {  	[tilespmem:s10], [sflag:$0x1] =	stream.indirect.gather [spmem:s1], $0x80, s28, s12, $0xb8;
	[tilespmem:$0x7180] =	vst v63  }
0x84: {  	_ =	swait.ge [sflag:s14], $0x1800  }
0x85: {  	[sflag:s14] =	ssyncset.done $0x0  }
0x86: {  	s3 =	rddreg [dreg:$0x10];
	[sflag:s14] =	ssyncadd.s32 $0xFFFFE800  }
0x87: {  	[hbm4b:s3+s8] =	stream.strided.scatter [tilespmem:s5], [sflag:$0x4], $0x1800, s11, s8, $0x38;
	[tilespmem:$0x7180] =	vst v63  }
0x88: {  	_ =	swait.ge [sflag:s7], $0x1800  }
0x89: {  	[sflag:s7] =	ssyncset.done $0x0  }
0x8a: {  	[sflag:s7] =	ssyncadd.s32 $0xFFFFE800  }
0x8b: {  	[tilespmem:s5], [sflag:$0x2] =	stream.indirect.gather [spmem:s1], $0x80, s23, s12, $0xb8;
	[tilespmem:$0x7180] =	vst v63  }
0x8c: {  	_ =	swait.ge [sflag:s13], $0x1800  }
0x8d: {  	[sflag:s13] =	ssyncset.done $0x0  }
0x8e: {  	s3 =	rddreg [dreg:$0x11];
	[sflag:s13] =	ssyncadd.s32 $0xFFFFE800  }
0x8f: {  	[hbm4b:s3+s8] =	stream.strided.scatter [tilespmem:s10], [sflag:$0x3], $0x1800, s11, s8, $0x38;
	[tilespmem:$0x7180] =	vst v63  }
0x90: {  	_ =	swait.ge [sflag:s6], $0x1800  }
0x91: {  	[sflag:s6] =	ssyncset.done $0x0  }
0x92: {  	[sflag:s6] =	ssyncadd.s32 $0xFFFFE800  }
0x93: {  	[tilespmem:s10], [sflag:$0x1] =	stream.indirect.gather [spmem:s1], $0x80, s22, s12, $0xb8;
	[tilespmem:$0x7180] =	vst v63  }
0x94: {  	_ =	swait.ge [sflag:s14], $0x1800  }
0x95: {  	[sflag:s14] =	ssyncset.done $0x0  }
0x96: {  	[sflag:s14] =	ssyncadd.s32 $0xFFFFE800  }
0x97: {  	[hbm4b:s18+s8] =	stream.strided.scatter [tilespmem:s5], [sflag:$0x4], $0x1800, s11, s8, $0x38;
	[tilespmem:$0x7180] =	vst v63  }
0x98: {  	_ =	swait.ge [sflag:s7], $0x1800  }
0x99: {  	[sflag:s7] =	ssyncset.done $0x0  }
0x9a: {  	[sflag:s7] =	ssyncadd.s32 $0xFFFFE800  }
0x9b: {  	[tilespmem:s5], [sflag:$0x2] =	stream.indirect.gather [spmem:s1], $0x80, s21, s12, $0xb8;
	[tilespmem:$0x7180] =	vst v63  }
0x9c: {  	_ =	swait.ge [sflag:s13], $0x1800  }
0x9d: {  	[sflag:s13] =	ssyncset.done $0x0  }
0x9e: {  	[sflag:s13] =	ssyncadd.s32 $0xFFFFE800  }
0x9f: {  	[hbm4b:s16+s8] =	stream.strided.scatter [tilespmem:s10], [sflag:$0x3], $0x1800, s11, s8, $0x38;
	[tilespmem:$0x7180] =	vst v63  }
0xa0: {  	_ =	swait.ge [sflag:s6], $0x1800  }
0xa1: {  	[sflag:s6] =	ssyncset.done $0x0  }
0xa2: {  	[sflag:s6] =	ssyncadd.s32 $0xFFFFE800  }
0xa3: {  	[tilespmem:s10], [sflag:$0x1] =	stream.indirect.gather [spmem:s1], $0x80, s20, s12, $0xb8;
	[tilespmem:$0x7180] =	vst v63  }
0xa4: {  	_ =	swait.ge [sflag:s14], $0x1800  }
0xa5: {  	[sflag:s14] =	ssyncset.done $0x0  }
0xa6: {  	[sflag:s14] =	ssyncadd.s32 $0xFFFFE800  }
0xa7: {  	[hbm4b:s15+s8] =	stream.strided.scatter [tilespmem:s5], [sflag:$0x4], $0x1800, s11, s8, $0x38;
	[tilespmem:$0x7180] =	vst v63  }
0xa8: {  	_ =	swait.ge [sflag:s7], $0x1800  }
0xa9: {  	[sflag:s7] =	ssyncset.done $0x0  }
0xaa: {  	[sflag:s7] =	ssyncadd.s32 $0xFFFFE800  }
0xab: {  	[tilespmem:s5], [sflag:$0x2] =	stream.indirect.gather [spmem:s1], $0x80, s17, s12, $0xb8;
	[tilespmem:$0x7180] =	vst v63  }
0xac: {  	_ =	swait.ge [sflag:s13], $0x1800  }
0xad: {  	[sflag:s13] =	ssyncset.done $0x0  }
0xae: {  	[sflag:s13] =	ssyncadd.s32 $0xFFFFE800  }
0xaf: {  	[hbm4b:s9+s8] =	stream.strided.scatter [tilespmem:s10], [sflag:$0x3], $0x1800, s11, s8, $0x38;
	[tilespmem:$0x7180] =	vst v63  }
0xb0: {  	_ =	swait.ge [sflag:s14], $0x1800  }
0xb1: {  	s0 =	sadd.s32 $0xFFFFFFFF, s0;
	[sflag:s14] =	ssyncset.done $0x0  }
0xb2: {  	p2 =	sne.s32 s0, $0x0;
	[sflag:s14] =	ssyncadd.s32 $0xFFFFE800  }
0xb3: {  	[hbm4b:s4+s8] =	stream.strided.scatter [tilespmem:s5], [sflag:$0x4], $0x1800, s11, s8, $0x38;
	[tilespmem:$0x7180] =	vst v63  }
.Ltmp1:
0xb4: {  	_ =	swait.ge [sflag:s6], $0x1800;
	(pc) =	sbr.rel @!p2 .LBB2_3-.Ltmp1, $4  }
0xb5: {  	[sflag:s6] =	ssyncset.done $0x0  }
0xb6: {  	[sflag:s6] =	ssyncadd.s32 $0xFFFFE800  }
0xb7: {  	_ =	swait.ge [sflag:s7], $0x1800  }
0xb8: {  	p1 =	por $0x1, $0x1;
	s3 =	rddreg [dreg:$0x4];
	[sflag:s7] =	ssyncset.done $0x0  }
.LBB2_4:
0xb9: {  	[sflag:s7] =	ssyncadd.s32 $0xFFFFE800  }
0xba: {  	[tilespmem:s2], [sflag:$0x5] =	stream.linear.gather [hbm4b:s3+s2], $0x180, $0x38;
	[tilespmem:$0x7180] =	vst v63  }
0xbb: {  	_ =	swait.ge [sflag:s25], $0x180  }
0xbc: {  	[sflag:s25] =	ssyncset.done $0x0  }
0xbd: {  	s3 =	rddreg [dreg:$0x5];
	[sflag:s25] =	ssyncadd.s32 $0xFFFFFE80  }
0xbe: {  	[spmem:s24@s31], [sflag:s29] =	dma.strided @!p0 [hbm:s3@s19], $0x8000, s30, $0x10   }
0xbf: {  	_ =	swait.ge @!p0 [sflag:s26], $0x8000  }
0xc0: {  	[sflag:s26] =	ssyncset.done @!p0 $0x0  }
0xc1: {  	[sflag:s26] =	ssyncadd.s32 @!p0 $0xFFFF8000  }
0xc2: {  	[bflag:$0x0] =	sbarrier.arrive $0xFFFF  }
0xc3: {  	[tilespmem:s10], [sflag:$0x1] =	stream.indirect.gather [spmem:s1], $0x80, s2, s12, $0xb8;
	[tilespmem:$0x7180] =	vst v63  }
0xc4: {  	_ = 	snop  }
0xc5: {  	[tilespmem:s5], [sflag:$0x2] =	stream.indirect.gather [spmem:s1], $0x80, s12, s12, $0xb8;
	[tilespmem:$0x7180] =	vst v63  }
0xc6: {  	_ =	swait.ge [sflag:s13], $0x1800  }
0xc7: {  	[sflag:s13] =	ssyncset.done $0x0  }
0xc8: {  	s3 =	rddreg [dreg:$0x6];
	[sflag:s13] =	ssyncadd.s32 $0xFFFFE800  }
0xc9: {  	[hbm4b:s3+s8] =	stream.strided.scatter [tilespmem:s10], [sflag:$0x3], $0x1800, s11, s8, $0x38;
	[tilespmem:$0x7180] =	vst v63  }
0xca: {  	_ =	swait.ge [sflag:s6], $0x1800  }
0xcb: {  	[sflag:s6] =	ssyncset.done $0x0  }
0xcc: {  	[sflag:s6] =	ssyncadd.s32 $0xFFFFE800  }
0xcd: {  	[tilespmem:s10], [sflag:$0x1] =	stream.indirect.gather [spmem:s1], $0x80, s28, s12, $0xb8;
	[tilespmem:$0x7180] =	vst v63  }
0xce: {  	_ =	swait.ge [sflag:s14], $0x1800  }
0xcf: {  	[sflag:s14] =	ssyncset.done $0x0  }
0xd0: {  	s3 =	rddreg [dreg:$0x7];
	[sflag:s14] =	ssyncadd.s32 $0xFFFFE800  }
0xd1: {  	[hbm4b:s3+s8] =	stream.strided.scatter [tilespmem:s5], [sflag:$0x4], $0x1800, s11, s8, $0x38;
	[tilespmem:$0x7180] =	vst v63  }
0xd2: {  	_ =	swait.ge [sflag:s7], $0x1800  }
0xd3: {  	[sflag:s7] =	ssyncset.done $0x0  }
0xd4: {  	[sflag:s7] =	ssyncadd.s32 $0xFFFFE800  }
0xd5: {  	[tilespmem:s5], [sflag:$0x2] =	stream.indirect.gather [spmem:s1], $0x80, s23, s12, $0xb8;
	[tilespmem:$0x7180] =	vst v63  }
0xd6: {  	_ =	swait.ge [sflag:s13], $0x1800  }
0xd7: {  	[sflag:s13] =	ssyncset.done $0x0  }
0xd8: {  	s3 =	rddreg [dreg:$0x8];
	[sflag:s13] =	ssyncadd.s32 $0xFFFFE800  }
0xd9: {  	[hbm4b:s3+s8] =	stream.strided.scatter [tilespmem:s10], [sflag:$0x3], $0x1800, s11, s8, $0x38;
	[tilespmem:$0x7180] =	vst v63  }
0xda: {  	_ =	swait.ge [sflag:s6], $0x1800  }
0xdb: {  	[sflag:s6] =	ssyncset.done $0x0  }
0xdc: {  	[sflag:s6] =	ssyncadd.s32 $0xFFFFE800  }
0xdd: {  	[tilespmem:s10], [sflag:$0x1] =	stream.indirect.gather [spmem:s1], $0x80, s22, s12, $0xb8;
	[tilespmem:$0x7180] =	vst v63  }
0xde: {  	_ =	swait.ge [sflag:s14], $0x1800  }
0xdf: {  	[sflag:s14] =	ssyncset.done $0x0  }
0xe0: {  	s3 =	rddreg [dreg:$0x9];
	[sflag:s14] =	ssyncadd.s32 $0xFFFFE800  }
0xe1: {  	[hbm4b:s3+s8] =	stream.strided.scatter [tilespmem:s5], [sflag:$0x4], $0x1800, s11, s8, $0x38;
	[tilespmem:$0x7180] =	vst v63  }
0xe2: {  	_ =	swait.ge [sflag:s7], $0x1800  }
0xe3: {  	[sflag:s7] =	ssyncset.done $0x0  }
0xe4: {  	[sflag:s7] =	ssyncadd.s32 $0xFFFFE800  }
0xe5: {  	[tilespmem:s5], [sflag:$0x2] =	stream.indirect.gather [spmem:s1], $0x80, s21, s12, $0xb8;
	[tilespmem:$0x7180] =	vst v63  }
0xe6: {  	_ =	swait.ge [sflag:s13], $0x1800  }
0xe7: {  	[sflag:s13] =	ssyncset.done $0x0  }
0xe8: {  	s3 =	rddreg [dreg:$0xa];
	[sflag:s13] =	ssyncadd.s32 $0xFFFFE800  }
0xe9: {  	[hbm4b:s3+s8] =	stream.strided.scatter [tilespmem:s10], [sflag:$0x3], $0x1800, s11, s8, $0x38;
	[tilespmem:$0x7180] =	vst v63  }
0xea: {  	_ =	swait.ge [sflag:s6], $0x1800  }
0xeb: {  	[sflag:s6] =	ssyncset.done $0x0  }
0xec: {  	[sflag:s6] =	ssyncadd.s32 $0xFFFFE800  }
0xed: {  	[tilespmem:s10], [sflag:$0x1] =	stream.indirect.gather [spmem:s1], $0x80, s20, s12, $0xb8;
	[tilespmem:$0x7180] =	vst v63  }
0xee: {  	_ =	swait.ge [sflag:s14], $0x1800  }
0xef: {  	[sflag:s14] =	ssyncset.done $0x0  }
0xf0: {  	s3 =	rddreg [dreg:$0xb];
	[sflag:s14] =	ssyncadd.s32 $0xFFFFE800  }
0xf1: {  	[hbm4b:s3+s8] =	stream.strided.scatter [tilespmem:s5], [sflag:$0x4], $0x1800, s11, s8, $0x38;
	[tilespmem:$0x7180] =	vst v63  }
0xf2: {  	_ =	swait.ge [sflag:s7], $0x1800  }
0xf3: {  	[sflag:s7] =	ssyncset.done $0x0  }
0xf4: {  	[sflag:s7] =	ssyncadd.s32 $0xFFFFE800  }
0xf5: {  	[tilespmem:s5], [sflag:$0x2] =	stream.indirect.gather [spmem:s1], $0x80, s17, s12, $0xb8;
	[tilespmem:$0x7180] =	vst v63  }
0xf6: {  	_ =	swait.ge [sflag:s13], $0x1800  }
0xf7: {  	[sflag:s13] =	ssyncset.done $0x0  }
0xf8: {  	s3 =	rddreg [dreg:$0xc];
	[sflag:s13] =	ssyncadd.s32 $0xFFFFE800  }
0xf9: {  	[hbm4b:s3+s8] =	stream.strided.scatter [tilespmem:s10], [sflag:$0x3], $0x1800, s11, s8, $0x38;
	[tilespmem:$0x7180] =	vst v63  }
0xfa: {  	_ =	swait.ge [sflag:s14], $0x1800  }
0xfb: {  	[sflag:s14] =	ssyncset.done $0x0  }
0xfc: {  	s3 =	rddreg [dreg:$0xd];
	[sflag:s14] =	ssyncadd.s32 $0xFFFFE800  }
0xfd: {  	[hbm4b:s3+s8] =	stream.strided.scatter [tilespmem:s5], [sflag:$0x4], $0x1800, s11, s8, $0x38;
	[tilespmem:$0x7180] =	vst v63  }
0xfe: {  	_ =	swait.ge [sflag:s6], $0x1800  }
0xff: {  	[sflag:s6] =	ssyncset.done $0x0  }
0x100: {  	[sflag:s6] =	ssyncadd.s32 $0xFFFFE800  }
0x101: {  	_ =	swait.ge [sflag:s7], $0x1800  }
0x102: {  	[sflag:s7] =	ssyncset.done $0x0  }
0x103: {  	[sflag:s7] =	ssyncadd.s32 $0xFFFFE800  }
0x104: {  	[bflag:$0x0] =	sbarrier.arrive $0xFFFF  }
0x105: {  	s3 =	rddreg [dreg:$0xe]  }
0x106: {  	[spmem:s24@s31], [sflag:s29] =	dma.strided @!p0 [hbm:s3@s19], $0x8000, s30, $0x10   }
0x107: {  	_ =	swait.ge @!p0 [sflag:s26], $0x8000  }
0x108: {  	[sflag:s26] =	ssyncset.done @!p0 $0x0  }
0x109: {  	[sflag:s26] =	ssyncadd.s32 @!p0 $0xFFFF8000  }
0x10a: {  	[bflag:$0x0] =	sbarrier.arrive $0xFFFF  }
0x10b: {  	[tilespmem:s10], [sflag:$0x1] =	stream.indirect.gather [spmem:s1], $0x80, s2, s12, $0xb8;
	[tilespmem:$0x7180] =	vst v63  }
0x10c: {  	_ = 	snop  }
0x10d: {  	[tilespmem:s5], [sflag:$0x2] =	stream.indirect.gather [spmem:s1], $0x80, s12, s12, $0xb8;
	[tilespmem:$0x7180] =	vst v63  }
0x10e: {  	_ =	swait.ge [sflag:s13], $0x1800  }
0x10f: {  	[sflag:s13] =	ssyncset.done $0x0  }
0x110: {  	s3 =	rddreg [dreg:$0xf];
	[sflag:s13] =	ssyncadd.s32 $0xFFFFE800  }
0x111: {  	[hbm4b:s3+s8] =	stream.strided.scatter [tilespmem:s10], [sflag:$0x3], $0x1800, s11, s8, $0x38;
	[tilespmem:$0x7180] =	vst v63  }
0x112: {  	_ =	swait.ge [sflag:s6], $0x1800  }
0x113: {  	[sflag:s6] =	ssyncset.done $0x0  }
0x114: {  	[sflag:s6] =	ssyncadd.s32 $0xFFFFE800  }
0x115: {  	[tilespmem:s10], [sflag:$0x1] =	stream.indirect.gather [spmem:s1], $0x80, s28, s12, $0xb8;
	[tilespmem:$0x7180] =	vst v63  }
0x116: {  	_ =	swait.ge [sflag:s14], $0x1800  }
0x117: {  	[sflag:s14] =	ssyncset.done $0x0  }
0x118: {  	s3 =	rddreg [dreg:$0x10];
	[sflag:s14] =	ssyncadd.s32 $0xFFFFE800  }
0x119: {  	[hbm4b:s3+s8] =	stream.strided.scatter [tilespmem:s5], [sflag:$0x4], $0x1800, s11, s8, $0x38;
	[tilespmem:$0x7180] =	vst v63  }
0x11a: {  	_ =	swait.ge [sflag:s7], $0x1800  }
0x11b: {  	[sflag:s7] =	ssyncset.done $0x0  }
0x11c: {  	[sflag:s7] =	ssyncadd.s32 $0xFFFFE800  }
0x11d: {  	[tilespmem:s5], [sflag:$0x2] =	stream.indirect.gather [spmem:s1], $0x80, s23, s12, $0xb8;
	[tilespmem:$0x7180] =	vst v63  }
0x11e: {  	_ =	swait.ge [sflag:s13], $0x1800  }
0x11f: {  	[sflag:s13] =	ssyncset.done $0x0  }
0x120: {  	s3 =	rddreg [dreg:$0x11];
	[sflag:s13] =	ssyncadd.s32 $0xFFFFE800  }
0x121: {  	[hbm4b:s3+s8] =	stream.strided.scatter [tilespmem:s10], [sflag:$0x3], $0x1800, s11, s8, $0x38;
	[tilespmem:$0x7180] =	vst v63  }
0x122: {  	_ =	swait.ge [sflag:s6], $0x1800  }
0x123: {  	[sflag:s6] =	ssyncset.done $0x0  }
0x124: {  	[sflag:s6] =	ssyncadd.s32 $0xFFFFE800  }
0x125: {  	[tilespmem:s10], [sflag:$0x1] =	stream.indirect.gather [spmem:s1], $0x80, s22, s12, $0xb8;
	[tilespmem:$0x7180] =	vst v63  }
0x126: {  	_ =	swait.ge [sflag:s14], $0x1800  }
0x127: {  	[sflag:s14] =	ssyncset.done $0x0  }
0x128: {  	[sflag:s14] =	ssyncadd.s32 $0xFFFFE800  }
0x129: {  	[hbm4b:s18+s8] =	stream.strided.scatter [tilespmem:s5], [sflag:$0x4], $0x1800, s11, s8, $0x38;
	[tilespmem:$0x7180] =	vst v63  }
0x12a: {  	_ =	swait.ge [sflag:s7], $0x1800  }
0x12b: {  	[sflag:s7] =	ssyncset.done $0x0  }
0x12c: {  	[sflag:s7] =	ssyncadd.s32 $0xFFFFE800  }
0x12d: {  	[tilespmem:s5], [sflag:$0x2] =	stream.indirect.gather [spmem:s1], $0x80, s21, s12, $0xb8;
	[tilespmem:$0x7180] =	vst v63  }
0x12e: {  	_ =	swait.ge [sflag:s13], $0x1800  }
0x12f: {  	[sflag:s13] =	ssyncset.done $0x0  }
0x130: {  	[sflag:s13] =	ssyncadd.s32 $0xFFFFE800  }
0x131: {  	[hbm4b:s16+s8] =	stream.strided.scatter [tilespmem:s10], [sflag:$0x3], $0x1800, s11, s8, $0x38;
	[tilespmem:$0x7180] =	vst v63  }
0x132: {  	_ =	swait.ge [sflag:s6], $0x1800  }
0x133: {  	[sflag:s6] =	ssyncset.done $0x0  }
0x134: {  	[sflag:s6] =	ssyncadd.s32 $0xFFFFE800  }
0x135: {  	[tilespmem:s10], [sflag:$0x1] =	stream.indirect.gather [spmem:s1], $0x80, s20, s12, $0xb8;
	[tilespmem:$0x7180] =	vst v63  }
0x136: {  	_ =	swait.ge [sflag:s14], $0x1800  }
0x137: {  	[sflag:s14] =	ssyncset.done $0x0  }
0x138: {  	[sflag:s14] =	ssyncadd.s32 $0xFFFFE800  }
0x139: {  	[hbm4b:s15+s8] =	stream.strided.scatter [tilespmem:s5], [sflag:$0x4], $0x1800, s11, s8, $0x38;
	[tilespmem:$0x7180] =	vst v63  }
0x13a: {  	_ =	swait.ge [sflag:s7], $0x1800  }
0x13b: {  	[sflag:s7] =	ssyncset.done $0x0  }
0x13c: {  	[sflag:s7] =	ssyncadd.s32 $0xFFFFE800  }
0x13d: {  	[tilespmem:s5], [sflag:$0x2] =	stream.indirect.gather [spmem:s1], $0x80, s17, s12, $0xb8;
	[tilespmem:$0x7180] =	vst v63  }
0x13e: {  	_ =	swait.ge [sflag:s13], $0x1800  }
0x13f: {  	[sflag:s13] =	ssyncset.done $0x0  }
0x140: {  	[sflag:s13] =	ssyncadd.s32 $0xFFFFE800  }
0x141: {  	[hbm4b:s9+s8] =	stream.strided.scatter [tilespmem:s10], [sflag:$0x3], $0x1800, s11, s8, $0x38;
	[tilespmem:$0x7180] =	vst v63  }
0x142: {  	_ =	swait.ge [sflag:s14], $0x1800  }
0x143: {  	s0 =	sadd.s32 $0xFFFFFFFF, s0;
	[sflag:s14] =	ssyncset.done $0x0  }
0x144: {  	p2 =	sne.s32 s0, $0x0;
	[sflag:s14] =	ssyncadd.s32 $0xFFFFE800  }
0x145: {  	[hbm4b:s4+s8] =	stream.strided.scatter [tilespmem:s5], [sflag:$0x4], $0x1800, s11, s8, $0x38;
	[tilespmem:$0x7180] =	vst v63  }
.Ltmp2:
0x146: {  	_ =	swait.ge [sflag:s6], $0x1800;
	(pc) =	sbr.rel @p2 .LBB2_4-.Ltmp2, $4  }
0x147: {  	[sflag:s6] =	ssyncset.done $0x0  }
0x148: {  	[sflag:s6] =	ssyncadd.s32 $0xFFFFE800  }
0x149: {  	_ =	swait.ge [sflag:s7], $0x1800  }
0x14a: {  	s3 =	rddreg [dreg:$0x4];
	[sflag:s7] =	ssyncset.done $0x0  }
0x14b: {  	s19 =	rddreg [dreg:$0x11]  }
0x14c: {  	s30 =	rddreg [dreg:$0x3];
	s31 =	smov.u32 s18  }
0x14d: {  	s17 =	simm.s32 $0x150;
	s18 =	simm.s32 $0x120;
	s20 =	simm.s32 $0xF0  }
0x14e: {  	s21 =	simm.s32 $0xC0;
	s22 =	simm.s32 $0x90;
	s23 =	simm.s32 $0x60  }
.LBB2_6:
0x14f: {  	[sflag:s7] =	ssyncadd.s32 @p1 $0xFFFFE800  }
0x150: {  	[tilespmem:s2], [sflag:$0x5] =	stream.linear.gather [hbm4b:s3+s2], $0x180, $0x38;
	[tilespmem:$0x7180] =	vst v63  }
0x151: {  	s0 =	simm.s32 @!p0 $0x200;
	s28 =	simm.s32 @!p0 $0x8;
	_ =	swait.ge [sflag:s25], $0x180  }
0x152: {  	s29 =	simm.s32 @!p0 $0x80;
	s26 =	simm.s32 @!p0 $0x5;
	[sflag:s25] =	ssyncset.done $0x0  }
0x153: {  	s3 =	rddreg [dreg:$0x5];
	[sflag:s25] =	ssyncadd.s32 $0xFFFFFE80;
	s25 =	simm.s32 @!p0 $0x1C05  }
0x154: {  	[spmem:s24@s29], [sflag:s25] =	dma.strided @!p0 [hbm:s3@s0], $0x8000, s28, $0x10   }
0x155: {  	_ =	swait.ge @!p0 [sflag:s26], $0x8000  }
0x156: {  	[sflag:s26] =	ssyncset.done @!p0 $0x0  }
0x157: {  	[sflag:s26] =	ssyncadd.s32 @!p0 $0xFFFF8000  }
0x158: {  	[bflag:$0x0] =	sbarrier.arrive $0xFFFF  }
0x159: {  	[tilespmem:s10], [sflag:$0x1] =	stream.indirect.gather [spmem:s1], $0x80, s2, s12, $0xb8;
	[tilespmem:$0x7180] =	vst v63  }
0x15a: {  	_ = 	snop  }
0x15b: {  	[tilespmem:s5], [sflag:$0x2] =	stream.indirect.gather [spmem:s1], $0x80, s12, s12, $0xb8;
	[tilespmem:$0x7180] =	vst v63  }
0x15c: {  	_ =	swait.ge [sflag:s13], $0x1800  }
0x15d: {  	[sflag:s13] =	ssyncset.done $0x0  }
0x15e: {  	s3 =	rddreg [dreg:$0x6];
	[sflag:s13] =	ssyncadd.s32 $0xFFFFE800  }
0x15f: {  	[hbm4b:s3+s8] =	stream.strided.scatter [tilespmem:s10], [sflag:$0x3], $0x1800, s11, s8, $0x38;
	[tilespmem:$0x7180] =	vst v63  }
0x160: {  	_ =	swait.ge [sflag:s6], $0x1800  }
0x161: {  	[sflag:s6] =	ssyncset.done $0x0  }
0x162: {  	[sflag:s6] =	ssyncadd.s32 $0xFFFFE800  }
0x163: {  	[tilespmem:s10], [sflag:$0x1] =	stream.indirect.gather [spmem:s1], $0x80, s23, s12, $0xb8;
	[tilespmem:$0x7180] =	vst v63  }
0x164: {  	_ =	swait.ge [sflag:s14], $0x1800  }
0x165: {  	[sflag:s14] =	ssyncset.done $0x0  }
0x166: {  	s3 =	rddreg [dreg:$0x7];
	[sflag:s14] =	ssyncadd.s32 $0xFFFFE800  }
0x167: {  	[hbm4b:s3+s8] =	stream.strided.scatter [tilespmem:s5], [sflag:$0x4], $0x1800, s11, s8, $0x38;
	[tilespmem:$0x7180] =	vst v63  }
0x168: {  	_ =	swait.ge [sflag:s7], $0x1800  }
0x169: {  	[sflag:s7] =	ssyncset.done $0x0  }
0x16a: {  	[sflag:s7] =	ssyncadd.s32 $0xFFFFE800  }
0x16b: {  	[tilespmem:s5], [sflag:$0x2] =	stream.indirect.gather [spmem:s1], $0x80, s22, s12, $0xb8;
	[tilespmem:$0x7180] =	vst v63  }
0x16c: {  	_ =	swait.ge [sflag:s13], $0x1800  }
0x16d: {  	[sflag:s13] =	ssyncset.done $0x0  }
0x16e: {  	s3 =	rddreg [dreg:$0x8];
	[sflag:s13] =	ssyncadd.s32 $0xFFFFE800  }
0x16f: {  	[hbm4b:s3+s8] =	stream.strided.scatter [tilespmem:s10], [sflag:$0x3], $0x1800, s11, s8, $0x38;
	[tilespmem:$0x7180] =	vst v63  }
0x170: {  	_ =	swait.ge [sflag:s6], $0x1800  }
0x171: {  	[sflag:s6] =	ssyncset.done $0x0  }
0x172: {  	[sflag:s6] =	ssyncadd.s32 $0xFFFFE800  }
0x173: {  	[tilespmem:s10], [sflag:$0x1] =	stream.indirect.gather [spmem:s1], $0x80, s21, s12, $0xb8;
	[tilespmem:$0x7180] =	vst v63  }
0x174: {  	_ =	swait.ge [sflag:s14], $0x1800  }
0x175: {  	[sflag:s14] =	ssyncset.done $0x0  }
0x176: {  	s3 =	rddreg [dreg:$0x9];
	[sflag:s14] =	ssyncadd.s32 $0xFFFFE800  }
0x177: {  	[hbm4b:s3+s8] =	stream.strided.scatter [tilespmem:s5], [sflag:$0x4], $0x1800, s11, s8, $0x38;
	[tilespmem:$0x7180] =	vst v63  }
0x178: {  	_ =	swait.ge [sflag:s7], $0x1800  }
0x179: {  	[sflag:s7] =	ssyncset.done $0x0  }
0x17a: {  	[sflag:s7] =	ssyncadd.s32 $0xFFFFE800  }
0x17b: {  	[tilespmem:s5], [sflag:$0x2] =	stream.indirect.gather [spmem:s1], $0x80, s20, s12, $0xb8;
	[tilespmem:$0x7180] =	vst v63  }
0x17c: {  	_ =	swait.ge [sflag:s13], $0x1800  }
0x17d: {  	[sflag:s13] =	ssyncset.done $0x0  }
0x17e: {  	s3 =	rddreg [dreg:$0xa];
	[sflag:s13] =	ssyncadd.s32 $0xFFFFE800  }
0x17f: {  	[hbm4b:s3+s8] =	stream.strided.scatter [tilespmem:s10], [sflag:$0x3], $0x1800, s11, s8, $0x38;
	[tilespmem:$0x7180] =	vst v63  }
0x180: {  	_ =	swait.ge [sflag:s6], $0x1800  }
0x181: {  	[sflag:s6] =	ssyncset.done $0x0  }
0x182: {  	[sflag:s6] =	ssyncadd.s32 $0xFFFFE800  }
0x183: {  	[tilespmem:s10], [sflag:$0x1] =	stream.indirect.gather [spmem:s1], $0x80, s18, s12, $0xb8;
	[tilespmem:$0x7180] =	vst v63  }
0x184: {  	_ =	swait.ge [sflag:s14], $0x1800  }
0x185: {  	[sflag:s14] =	ssyncset.done $0x0  }
0x186: {  	s3 =	rddreg [dreg:$0xb];
	[sflag:s14] =	ssyncadd.s32 $0xFFFFE800  }
0x187: {  	[hbm4b:s3+s8] =	stream.strided.scatter [tilespmem:s5], [sflag:$0x4], $0x1800, s11, s8, $0x38;
	[tilespmem:$0x7180] =	vst v63  }
0x188: {  	_ =	swait.ge [sflag:s7], $0x1800  }
0x189: {  	[sflag:s7] =	ssyncset.done $0x0  }
0x18a: {  	[sflag:s7] =	ssyncadd.s32 $0xFFFFE800  }
0x18b: {  	[tilespmem:s5], [sflag:$0x2] =	stream.indirect.gather [spmem:s1], $0x80, s17, s12, $0xb8;
	[tilespmem:$0x7180] =	vst v63  }
0x18c: {  	_ =	swait.ge [sflag:s13], $0x1800  }
0x18d: {  	[sflag:s13] =	ssyncset.done $0x0  }
0x18e: {  	s3 =	rddreg [dreg:$0xc];
	[sflag:s13] =	ssyncadd.s32 $0xFFFFE800  }
0x18f: {  	[hbm4b:s3+s8] =	stream.strided.scatter [tilespmem:s10], [sflag:$0x3], $0x1800, s11, s8, $0x38;
	[tilespmem:$0x7180] =	vst v63  }
0x190: {  	_ =	swait.ge [sflag:s14], $0x1800  }
0x191: {  	[sflag:s14] =	ssyncset.done $0x0  }
0x192: {  	s3 =	rddreg [dreg:$0xd];
	[sflag:s14] =	ssyncadd.s32 $0xFFFFE800  }
0x193: {  	[hbm4b:s3+s8] =	stream.strided.scatter [tilespmem:s5], [sflag:$0x4], $0x1800, s11, s8, $0x38;
	[tilespmem:$0x7180] =	vst v63  }
0x194: {  	_ =	swait.ge [sflag:s6], $0x1800  }
0x195: {  	[sflag:s6] =	ssyncset.done $0x0  }
0x196: {  	[sflag:s6] =	ssyncadd.s32 $0xFFFFE800  }
0x197: {  	_ =	swait.ge [sflag:s7], $0x1800  }
0x198: {  	[sflag:s7] =	ssyncset.done $0x0  }
0x199: {  	[sflag:s7] =	ssyncadd.s32 $0xFFFFE800  }
0x19a: {  	[bflag:$0x0] =	sbarrier.arrive $0xFFFF  }
0x19b: {  	s3 =	rddreg [dreg:$0xe]  }
0x19c: {  	[spmem:s24@s29], [sflag:s25] =	dma.strided @!p0 [hbm:s3@s0], $0x8000, s28, $0x10   }
0x19d: {  	_ =	swait.ge @!p0 [sflag:s26], $0x8000  }
0x19e: {  	[sflag:s26] =	ssyncset.done @!p0 $0x0  }
0x19f: {  	[sflag:s26] =	ssyncadd.s32 @!p0 $0xFFFF8000  }
0x1a0: {  	[bflag:$0x0] =	sbarrier.arrive $0xFFFF  }
0x1a1: {  	[tilespmem:s10], [sflag:$0x1] =	stream.indirect.gather [spmem:s1], $0x80, s2, s12, $0xb8;
	[tilespmem:$0x7180] =	vst v63  }
0x1a2: {  	_ = 	snop  }
0x1a3: {  	[tilespmem:s5], [sflag:$0x2] =	stream.indirect.gather [spmem:s1], $0x80, s12, s12, $0xb8;
	[tilespmem:$0x7180] =	vst v63  }
0x1a4: {  	_ =	swait.ge [sflag:s13], $0x1800  }
0x1a5: {  	[sflag:s13] =	ssyncset.done $0x0  }
0x1a6: {  	s28 =	rddreg [dreg:$0xf];
	[sflag:s13] =	ssyncadd.s32 $0xFFFFE800  }
0x1a7: {  	[hbm4b:s28+s8] =	stream.strided.scatter [tilespmem:s10], [sflag:$0x3], $0x1800, s11, s8, $0x38;
	[tilespmem:$0x7180] =	vst v63  }
0x1a8: {  	_ =	swait.ge [sflag:s6], $0x1800  }
0x1a9: {  	[sflag:s6] =	ssyncset.done $0x0  }
0x1aa: {  	[sflag:s6] =	ssyncadd.s32 $0xFFFFE800  }
0x1ab: {  	[tilespmem:s10], [sflag:$0x1] =	stream.indirect.gather [spmem:s1], $0x80, s23, s12, $0xb8;
	[tilespmem:$0x7180] =	vst v63  }
0x1ac: {  	_ =	swait.ge [sflag:s14], $0x1800  }
0x1ad: {  	[sflag:s14] =	ssyncset.done $0x0  }
0x1ae: {  	s29 =	rddreg [dreg:$0x10];
	[sflag:s14] =	ssyncadd.s32 $0xFFFFE800  }
0x1af: {  	[hbm4b:s29+s8] =	stream.strided.scatter [tilespmem:s5], [sflag:$0x4], $0x1800, s11, s8, $0x38;
	[tilespmem:$0x7180] =	vst v63  }
0x1b0: {  	_ =	swait.ge [sflag:s7], $0x1800  }
0x1b1: {  	[sflag:s7] =	ssyncset.done $0x0  }
0x1b2: {  	[sflag:s7] =	ssyncadd.s32 $0xFFFFE800  }
0x1b3: {  	[tilespmem:s5], [sflag:$0x2] =	stream.indirect.gather [spmem:s1], $0x80, s22, s12, $0xb8;
	[tilespmem:$0x7180] =	vst v63  }
0x1b4: {  	_ =	swait.ge [sflag:s13], $0x1800  }
0x1b5: {  	[sflag:s13] =	ssyncset.done $0x0  }
0x1b6: {  	[sflag:s13] =	ssyncadd.s32 $0xFFFFE800  }
0x1b7: {  	[hbm4b:s19+s8] =	stream.strided.scatter [tilespmem:s10], [sflag:$0x3], $0x1800, s11, s8, $0x38;
	[tilespmem:$0x7180] =	vst v63  }
0x1b8: {  	_ =	swait.ge [sflag:s6], $0x1800  }
0x1b9: {  	[sflag:s6] =	ssyncset.done $0x0  }
0x1ba: {  	[sflag:s6] =	ssyncadd.s32 $0xFFFFE800  }
0x1bb: {  	[tilespmem:s10], [sflag:$0x1] =	stream.indirect.gather [spmem:s1], $0x80, s21, s12, $0xb8;
	[tilespmem:$0x7180] =	vst v63  }
0x1bc: {  	_ =	swait.ge [sflag:s14], $0x1800  }
0x1bd: {  	[sflag:s14] =	ssyncset.done $0x0  }
0x1be: {  	[sflag:s14] =	ssyncadd.s32 $0xFFFFE800  }
0x1bf: {  	[hbm4b:s31+s8] =	stream.strided.scatter [tilespmem:s5], [sflag:$0x4], $0x1800, s11, s8, $0x38;
	[tilespmem:$0x7180] =	vst v63  }
0x1c0: {  	_ =	swait.ge [sflag:s7], $0x1800  }
0x1c1: {  	[sflag:s7] =	ssyncset.done $0x0  }
0x1c2: {  	[sflag:s7] =	ssyncadd.s32 $0xFFFFE800  }
0x1c3: {  	[tilespmem:s5], [sflag:$0x2] =	stream.indirect.gather [spmem:s1], $0x80, s20, s12, $0xb8;
	[tilespmem:$0x7180] =	vst v63  }
0x1c4: {  	_ =	swait.ge [sflag:s13], $0x1800  }
0x1c5: {  	[sflag:s13] =	ssyncset.done $0x0  }
0x1c6: {  	[sflag:s13] =	ssyncadd.s32 $0xFFFFE800  }
0x1c7: {  	[hbm4b:s16+s8] =	stream.strided.scatter [tilespmem:s10], [sflag:$0x3], $0x1800, s11, s8, $0x38;
	[tilespmem:$0x7180] =	vst v63  }
0x1c8: {  	_ =	swait.ge [sflag:s6], $0x1800  }
0x1c9: {  	[sflag:s6] =	ssyncset.done $0x0  }
0x1ca: {  	[sflag:s6] =	ssyncadd.s32 $0xFFFFE800  }
0x1cb: {  	[tilespmem:s10], [sflag:$0x1] =	stream.indirect.gather [spmem:s1], $0x80, s18, s12, $0xb8;
	[tilespmem:$0x7180] =	vst v63  }
0x1cc: {  	_ =	swait.ge [sflag:s14], $0x1800  }
0x1cd: {  	[sflag:s14] =	ssyncset.done $0x0  }
0x1ce: {  	[sflag:s14] =	ssyncadd.s32 $0xFFFFE800  }
0x1cf: {  	[hbm4b:s15+s8] =	stream.strided.scatter [tilespmem:s5], [sflag:$0x4], $0x1800, s11, s8, $0x38;
	[tilespmem:$0x7180] =	vst v63  }
0x1d0: {  	_ =	swait.ge [sflag:s7], $0x1800  }
0x1d1: {  	[sflag:s7] =	ssyncset.done $0x0  }
0x1d2: {  	[sflag:s7] =	ssyncadd.s32 $0xFFFFE800  }
0x1d3: {  	[tilespmem:s5], [sflag:$0x2] =	stream.indirect.gather [spmem:s1], $0x80, s17, s12, $0xb8;
	[tilespmem:$0x7180] =	vst v63  }
0x1d4: {  	_ =	swait.ge [sflag:s13], $0x1800  }
0x1d5: {  	[sflag:s13] =	ssyncset.done $0x0  }
0x1d6: {  	[sflag:s13] =	ssyncadd.s32 $0xFFFFE800  }
0x1d7: {  	[hbm4b:s9+s8] =	stream.strided.scatter [tilespmem:s10], [sflag:$0x3], $0x1800, s11, s8, $0x38;
	[tilespmem:$0x7180] =	vst v63  }
0x1d8: {  	_ =	swait.ge [sflag:s14], $0x1800  }
0x1d9: {  	[sflag:s14] =	ssyncset.done $0x0  }
0x1da: {  	[sflag:s14] =	ssyncadd.s32 $0xFFFFE800  }
0x1db: {  	[hbm4b:s4+s8] =	stream.strided.scatter [tilespmem:s5], [sflag:$0x4], $0x1800, s11, s8, $0x38;
	[tilespmem:$0x7180] =	vst v63  }
0x1dc: {  	_ =	swait.ge [sflag:s6], $0x1800  }
0x1dd: {  	[sflag:s6] =	ssyncset.done $0x0  }
0x1de: {  	[sflag:s6] =	ssyncadd.s32 $0xFFFFE800  }
0x1df: {  	_ =	swait.ge [sflag:s7], $0x1800  }
0x1e0: {  	[sflag:s7] =	ssyncset.done $0x0  }
0x1e1: {  	[sflag:s7] =	ssyncadd.s32 $0xFFFFE800  }
0x1e2: {  	_ =	sfence.sel $0x180000  }
0x1e3: {  	[bflag:$0x0] =	sbarrier.arrive $0xFFFF  }
0x1e4: {  	_ =	strace $0x9000004A  }
0x1e5: {  	s0 =	sadd.s32 @!p0 $0x100000, s30;
	[bflag:$0x2] =	sbarrier.arrive $0xFFFF  }
0x1e6: {  	[sflag:s0] =	ssyncadd.tile.s32 @!p0 $0x1;
	_ =	shalt  }
.LBB2_1:
.Ltmp3:
0x1e7: {  	(pc) =	sbr.rel .LBB2_6-.Ltmp3, $2  }
0x1e8: {  	_ =	sdelay $0x2  }
0x1e9: {  	s19 =	rddreg [dreg:$0x11]  }
.LBB2_3:
.Ltmp4:
0x1ea: {  	(pc) =	sbr.rel .LBB2_6-.Ltmp4, $4  }
0x1eb: {  	s19 =	rddreg [dreg:$0x11]  }
0x1ec: {  	s30 =	rddreg [dreg:$0x3];
	s31 =	smov.u32 s18  }
0x1ed: {  	s17 =	simm.s32 $0x150;
	s18 =	simm.s32 $0x120;
	s20 =	simm.s32 $0xF0  }
0x1ee: {  	s21 =	simm.s32 $0xC0;
	s22 =	simm.s32 $0x90;
	s23 =	simm.s32 $0x60  }
.Lfunc_end2:
_tile_overlayer_lowered:
.L_overlay_start_2:
0x1ef: {  	(tag) =	ssettag $0x2  }
0x1f0: {  	s0 =	rddreg [dreg:$0x0];
	s2 =	stileid.u32  }
0x1f1: {  	s1 =	rddreg [dreg:$0x1];
	p0 =	sne.s32 s2, $0x0  }
0x1f2: {  	s3 =	rddreg [dreg:$0x2];
	[bflag:$0x3] =	sbarrier.arrive $0xFFFF;
	s2 =	simm.s32 @!p0 $0x1C05  }
0x1f3: {  	[timem:s3], [sflag:s2] =	dma.local @!p0 [hbm:s0], s1  }
0x1f4: {  	s0 =	simm.s32 @!p0 $0x5  }
0x1f5: {  	_ =	swait.ge @!p0 [sflag:s0], s1  }
0x1f6: {  	s1 =	ssub.s32 @!p0 $0x0, s1;
	[sflag:s0] =	ssyncset.done @!p0 $0x0  }
0x1f7: {  	[sflag:s0] =	ssyncadd.s32 @!p0 s1  }
0x1f8: {  	[bflag:$0x3] =	sbarrier.arrive $0xFFFF  }
0x1f9: {  	_ =	shalt  }

</sc_bundles>
